<compile_context>
chip_gen: v7x
topology: tpu7x:2x2x1
jax: 0.10.2.dev20260603
libtpu: 0.0.44.dev20260713+nightly
codegen_flags: <defaults>
</compile_context>

<pallas_src>
import dataclasses
import functools

import jax
import jax.numpy as jnp
from jax import lax
from jax.experimental import pallas as pl
from jax.experimental.pallas import tpu as pltpu
from jax.experimental.pallas import tpu_sc as plsc

N = 10000
E = 320000
D = 128
Z = 0.8
EPS = 1e-5

NC = 2
NS = 16
NW = NC * NS
EPAD = 327680
EPW = EPAD // NW
CHUNK = 128
NCHUNK = EPW // CHUNK
NP = 10240
RPT = NP // NS

_BLK = 1000
_GRID = N // _BLK



_SC_CP = pltpu.CompilerParams()
if "needs_layout_passes" in pltpu.CompilerParams.__dataclass_fields__:
    _SC_CP = dataclasses.replace(_SC_CP, needs_layout_passes=False)


@functools.lru_cache(maxsize=1)
def _sc_spmm_build():
    return functools.partial(
        pl.kernel,
        compiler_params=_SC_CP,
        out_type=[
            jax.ShapeDtypeStruct((NC, NP, D), jnp.float32),
            jax.ShapeDtypeStruct((NW * N,), jnp.float32),
        ],
        mesh=plsc.VectorSubcoreMesh(core_axis_name="c", subcore_axis_name="s"),
        scratch_types=[
            pltpu.VMEM((2, CHUNK), jnp.int32),
            pltpu.VMEM((CHUNK,), jnp.float32),
            pltpu.VMEM((CHUNK,), jnp.int32),
            pltpu.VMEM((CHUNK, D), jnp.float32),
            pltpu.VMEM((N,), jnp.float32),
            pltpu.VMEM_SHARED((NP, D), jnp.float32),
            pltpu.SemaphoreType.DMA,
        ],
    )(_sc_spmm_body)


def _sc_spmm_body(ei_hbm, ew_hbm, x_hbm, outp_hbm, degp_hbm,
                  eidx_v, ew_v, sidx_v, rows_v, deg_v, part_sh, sem):
    cid = lax.axis_index("c")
    sid = lax.axis_index("s")
    wid = cid * NS + sid
    base = wid * EPW

    zvec = jnp.zeros((16,), jnp.float32)

    @pl.loop(0, N, step=16)
    def _(i):
        deg_v[pl.ds(i, 16)] = zvec

    @pl.loop(0, CHUNK)
    def _(i):
        for j in range(D // 16):
            rows_v[i, pl.ds(j * 16, 16)] = zvec

    for t in range(RPT // CHUNK):
        pltpu.sync_copy(rows_v, part_sh.at[pl.ds(sid * RPT + t * CHUNK, CHUNK)])

    plsc.subcore_barrier()

    @pl.loop(0, NCHUNK)
    def _(c):
        off = base + c * CHUNK
        pltpu.sync_copy(ei_hbm.at[:, pl.ds(off, CHUNK)], eidx_v)
        pltpu.sync_copy(ew_hbm.at[pl.ds(off, CHUNK)], ew_v)
        pltpu.async_copy(x_hbm.at[eidx_v.at[1]], rows_v, sem).wait()

        for g in range(CHUNK // 16):
            rvec = eidx_v[0, pl.ds(g * 16, 16)]
            sidx_v[pl.ds(g * 16, 16)] = rvec
            plsc.addupdate_scatter(deg_v, [rvec], ew_v[pl.ds(g * 16, 16)])

        @pl.loop(0, CHUNK)
        def _(e):
            splat = plsc.load_gather(ew_v, [jnp.full((16,), e, jnp.int32)])
            for j in range(D // 16):
                rows_v[e, pl.ds(j * 16, 16)] = rows_v[e, pl.ds(j * 16, 16)] * splat

        pltpu.sync_copy(rows_v, part_sh.at[sidx_v], add=True)

    plsc.subcore_barrier()

    pltpu.sync_copy(part_sh.at[pl.ds(sid * RPT, RPT)],
                    outp_hbm.at[cid, pl.ds(sid * RPT, RPT)])
    pltpu.sync_copy(deg_v, degp_hbm.at[pl.ds(wid * N, N)])



def _mix(mf, a1, a0):
    sel = a0 + mf * (a1 - a0)
    return (1.0 - Z) * (a0 + a1) + (2.0 * Z - 1.0) * sel


def _tc_mix_body(x_ref, m_ref, w0_ref, b0_ref, w1_ref, b1_ref, o_ref):
    x = x_ref[...]
    dn = (((1,), (1,)), ((), ()))
    h1 = jax.nn.relu(lax.dot_general(x, w1_ref[...], dn,
                                     preferred_element_type=jnp.float32) + b1_ref[...])
    h0 = jax.nn.relu(lax.dot_general(x, w0_ref[...], dn,
                                     preferred_element_type=jnp.float32) + b0_ref[...])
    o_ref[...] = _mix(m_ref[...], h1, h0)


def _tc_mix(x_, mf, Wt0, bt0, Wt1, bt1):
    return pl.pallas_call(
        _tc_mix_body,
        grid=(_GRID,),
        in_specs=[
            pl.BlockSpec((_BLK, D), lambda i: (i, 0)),
            pl.BlockSpec((_BLK, 1), lambda i: (i, 0)),
            pl.BlockSpec((D, D), lambda i: (0, 0)),
            pl.BlockSpec((1, D), lambda i: (0, 0)),
            pl.BlockSpec((D, D), lambda i: (0, 0)),
            pl.BlockSpec((1, D), lambda i: (0, 0)),
        ],
        out_specs=pl.BlockSpec((_BLK, D), lambda i: (i, 0)),
        out_shape=jax.ShapeDtypeStruct((N, D), jnp.float32),
    )(x_, mf, Wt0, bt0, Wt1, bt1)


def _tc_stats_body(p_ref, d_ref, agg_ref, st_ref):
    i = pl.program_id(0)
    deg = jnp.sum(d_ref[...], axis=1)
    deg = jnp.where(deg < 0.5, deg + 1.0, deg)
    agg = (p_ref[0] + p_ref[1]) * (1.0 / deg)[:, None]
    agg_ref[...] = agg
    st = jnp.concatenate([jnp.sum(agg, axis=0, keepdims=True),
                          jnp.sum(agg * agg, axis=0, keepdims=True)], axis=0)

    @pl.when(i == 0)
    def _():
        st_ref[...] = st

    @pl.when(i > 0)
    def _():
        st_ref[...] = st_ref[...] + st


def _tc_stats(outp, degp):
    return pl.pallas_call(
        _tc_stats_body,
        grid=(_GRID,),
        in_specs=[
            pl.BlockSpec((NC, _BLK, D), lambda i: (0, i, 0)),
            pl.BlockSpec((_BLK, NW), lambda i: (i, 0)),
        ],
        out_specs=[
            pl.BlockSpec((_BLK, D), lambda i: (i, 0)),
            pl.BlockSpec((2, D), lambda i: (0, 0)),
        ],
        out_shape=[
            jax.ShapeDtypeStruct((N, D), jnp.float32),
            jax.ShapeDtypeStruct((2, D), jnp.float32),
        ],
    )(outp, degp)


def _tc_final_body(agg_ref, st_ref, x_ref, m_ref,
                   a1_ref, b1m_ref, bc1_ref, a0_ref, b0m_ref, bc0_ref,
                   gw_ref, gb_ref, ms_ref, o_ref):
    ms = ms_ref[...]
    s1 = st_ref[pl.ds(0, 1), :]
    s2 = st_ref[pl.ds(1, 1), :]
    mean = s1 * (1.0 / N)
    var = s2 * (1.0 / N) - (2.0 * ms - ms * ms) * mean * mean
    agg = agg_ref[...]
    xn = gw_ref[...] * (agg - ms * mean) * lax.rsqrt(var + EPS) + gb_ref[...]
    xv = x_ref[...]
    dn = (((1,), (1,)), ((), ()))
    y1 = (lax.dot_general(xn, a1_ref[...], dn, preferred_element_type=jnp.float32)
          + lax.dot_general(xv, b1m_ref[...], dn, preferred_element_type=jnp.float32)
          + bc1_ref[...])
    y0 = (lax.dot_general(xn, a0_ref[...], dn, preferred_element_type=jnp.float32)
          + lax.dot_general(xv, b0m_ref[...], dn, preferred_element_type=jnp.float32)
          + bc0_ref[...])
    o_ref[...] = _mix(m_ref[...], y1, y0)


def _tc_final(agg, st, x_, mf, A1, B1, bc1, A0, B0, bc0, gw, gb, ms):
    wspec = pl.BlockSpec((D, D), lambda i: (0, 0))
    vspec = pl.BlockSpec((1, D), lambda i: (0, 0))
    return pl.pallas_call(
        _tc_final_body,
        grid=(_GRID,),
        in_specs=[
            pl.BlockSpec((_BLK, D), lambda i: (i, 0)),
            pl.BlockSpec((2, D), lambda i: (0, 0)),
            pl.BlockSpec((_BLK, D), lambda i: (i, 0)),
            pl.BlockSpec((_BLK, 1), lambda i: (i, 0)),
            wspec, wspec, vspec, wspec, wspec, vspec,
            vspec, vspec, vspec,
        ],
        out_specs=pl.BlockSpec((_BLK, D), lambda i: (i, 0)),
        out_shape=jax.ShapeDtypeStruct((N, D), jnp.float32),
    )(agg, st, x_, mf, A1, B1, bc1, A0, B0, bc0, gw, gb, ms)



def kernel(x_, edge_index, edge_weight, mask,
           Wt0, bt0, Wt1, bt1, Wc0, bc0, Wc1, bc1,
           gn_weight, gn_bias, gn_mean_scale):
    pad = EPAD - E
    eip = jnp.concatenate([edge_index, jnp.zeros((2, pad), jnp.int32)], axis=1)
    ewp = jnp.concatenate([edge_weight, jnp.zeros((pad,), jnp.float32)])
    mf = mask.astype(jnp.float32)

    x_mix = _tc_mix(x_, mf, Wt0, bt0.reshape(1, D), Wt1, bt1.reshape(1, D))
    outp, degp = _sc_spmm_build()(eip, ewp, x_mix)
    agg, st = _tc_stats(outp, degp.reshape(NW, N).T)
    return _tc_final(
        agg, st, x_, mf,
        Wc1[:, :D], Wc1[:, D:], bc1.reshape(1, D),
        Wc0[:, :D], Wc0[:, D:], bc0.reshape(1, D),
        gn_weight.reshape(1, D), gn_bias.reshape(1, D),
        gn_mean_scale.reshape(1, D))

# --- scband reference (transcript-rebuilt; emitter-appended) ---
"""Pipeline reference for scband-mask-conv-2164663517536 (READ-ONLY COPY).

The authoritative reference and input builder live on the scoring server;
editing this copy changes nothing except your own understanding.
"""

import jax, jax.numpy as jnp
import numpy as np

N_NODES = 10000
N_EDGES = 320000
D_IN = 128
D_OUT = 128
Z_RATIO = 0.8
EPS = 1e-5


def setup_inputs(seed: int = 0) -> dict:
    key = jax.random.key(seed)
    ks = jax.random.split(key, 16)
    x_ = jax.random.normal(ks[0], (N_NODES, D_IN), dtype=jnp.float32)
    edge_index = jax.random.randint(ks[1], (2, N_EDGES), 0, N_NODES, dtype=jnp.int64 if jax.config.jax_enable_x64 else jnp.int32).astype(jnp.int32)
    edge_weight = jax.random.uniform(ks[2], (N_EDGES,), dtype=jnp.float32)
    mask = jax.random.randint(ks[3], (N_NODES, 1), 0, 2) > 0
    # trans linear layers: [out, in]
    Wt0 = jax.random.normal(ks[4], (D_OUT, D_IN), dtype=jnp.float32) * 0.05
    bt0 = jax.random.normal(ks[5], (D_OUT,), dtype=jnp.float32) * 0.05
    Wt1 = jax.random.normal(ks[6], (D_OUT, D_IN), dtype=jnp.float32) * 0.05
    bt1 = jax.random.normal(ks[7], (D_OUT,), dtype=jnp.float32) * 0.05
    # comb linear layers: [out, in+out]
    Wc0 = jax.random.normal(ks[8], (D_OUT, D_IN + D_OUT), dtype=jnp.float32) * 0.05
    bc0 = jax.random.normal(ks[9], (D_OUT,), dtype=jnp.float32) * 0.05
    Wc1 = jax.random.normal(ks[10], (D_OUT, D_IN + D_OUT), dtype=jnp.float32) * 0.05
    bc1 = jax.random.normal(ks[11], (D_OUT,), dtype=jnp.float32) * 0.05
    # GraphNorm params
    gn_weight = jnp.ones((D_OUT,), dtype=jnp.float32)
    gn_bias = jnp.zeros((D_OUT,), dtype=jnp.float32)
    gn_mean_scale = jnp.ones((D_OUT,), dtype=jnp.float32)
    return {"x_": x_, "edge_index": edge_index, "edge_weight": edge_weight, "mask": mask,
            "Wt0": Wt0, "bt0": bt0, "Wt1": Wt1, "bt1": bt1,
            "Wc0": Wc0, "bc0": bc0, "Wc1": Wc1, "bc1": bc1,
            "gn_weight": gn_weight, "gn_bias": gn_bias, "gn_mean_scale": gn_mean_scale}


def _graph_norm(x, weight, bias, mean_scale):
    mean = jnp.mean(x, axis=0, keepdims=True)
    out = x - mean_scale * mean
    var = jnp.mean(out * out, axis=0, keepdims=True)
    return weight * out / jnp.sqrt(var + EPS) + bias


def reference(x_, edge_index, edge_weight, mask,
              Wt0, bt0, Wt1, bt1, Wc0, bc0, Wc1, bc1,
              gn_weight, gn_bias, gn_mean_scale):
    n_node = x_.shape[0]
    row = edge_index[0]
    col = edge_index[1]
    # buildAdj with aggr='mean'
    deg = jax.ops.segment_sum(edge_weight, row, num_segments=n_node)
    deg = jnp.where(deg < 0.5, deg + 1.0, deg)
    w = (1.0 / deg)[row] * edge_weight
    # transform + mix
    x1 = jax.nn.relu(x_ @ Wt1.T + bt1)
    x0 = jax.nn.relu(x_ @ Wt0.T + bt0)
    x = jnp.where(mask, Z_RATIO * x1 + (1 - Z_RATIO) * x0, Z_RATIO * x0 + (1 - Z_RATIO) * x1)
    # sparse adj @ x : gather cols, scale, scatter-add to rows
    x = jax.ops.segment_sum(w[:, None] * x[col], row, num_segments=n_node)
    # GraphNorm
    x = _graph_norm(x, gn_weight, gn_bias, gn_mean_scale)
    # dropout is identity in eval / deterministic reference
    x = jnp.concatenate((x, x_), axis=-1)
    x1 = x @ Wc1.T + bc1
    x0 = x @ Wc0.T + bc0
    x = jnp.where(mask, Z_RATIO * x1 + (1 - Z_RATIO) * x0, Z_RATIO * x0 + (1 - Z_RATIO) * x1)
    return x

if __name__ == "__main__":
    import jax
    _d = setup_inputs()
    print(jax.jit(kernel)(*tuple(_d.values())))

</pallas_src>

<mosaic_0001>
#map = affine_map<(d0, d1) -> (0, 0)>
#map1 = affine_map<(d0, d1) -> (0)>
#map2 = affine_map<(d0, d1) -> (0, 0, 0)>
module attributes {stable_mosaic.version = 14 : i64} {
  func.func @_sc_spmm_body(%arg0: i32, %arg1: i32, %arg2: memref<2x327680xi32, #tpu.memory_space<hbm>>, %arg3: memref<327680xf32, #tpu.memory_space<hbm>>, %arg4: memref<10000x128xf32, #tpu.memory_space<hbm>>, %arg5: memref<2x10240x128xf32, #tpu.memory_space<hbm>>, %arg6: memref<320000xf32, #tpu.memory_space<hbm>>, %arg7: memref<2x128xi32, #tpu.memory_space<vmem>>, %arg8: memref<128xf32, #tpu.memory_space<vmem>>, %arg9: memref<128xi32, #tpu.memory_space<vmem>>, %arg10: memref<128x128xf32, #tpu.memory_space<vmem>>, %arg11: memref<10000xf32, #tpu.memory_space<vmem>>, %arg12: memref<10240x128xf32, #tpu.memory_space<vmem_shared>>, %arg13: memref<!tpu.dma_semaphore, #tpu.memory_space<semaphore_mem>>) attributes {dimension_semantics = [#tpu.dimension_semantics<core_parallel>, #tpu.dimension_semantics<subcore_parallel>], iteration_bounds = array<i64: 2, 16>, scalar_prefetch = 0 : i64, scratch_operands = 7 : i64, tpu.core_type = #tpu.core_type<sc_vector_subcore>, window_params = [{transform_indices = #map}, {transform_indices = #map1}, {transform_indices = #map}, {transform_indices = #map2}, {transform_indices = #map1}]} {
    %mul3A = arith.constant 16 : i32
    %mul3A_0 = arith.muli %arg0, %mul3A : i32
    %add3A = arith.addi %mul3A_0, %arg1 : i32
    %mul3A_1 = arith.constant 10240 : i32
    %mul3A_2 = arith.muli %add3A, %mul3A_1 : i32
    %broadcast_in_dim3A = arith.constant 0.000000e+00 : f32
    %broadcast_in_dim3A_3 = vector.broadcast %broadcast_in_dim3A : f32 to vector<16xf32>
    %scan3A = arith.constant 0 : i32
    %scan3A_4 = arith.constant 625 : i32
    %scan3A_5 = arith.addi %scan3A, %scan3A_4 : i32
    %scan3A_6 = arith.constant 1 : i32
    scf.for %scan3A_45 = %scan3A to %scan3A_5 step %scan3A_6  : i32 {
      %mul3A_46 = arith.constant 16 : i32
      %mul3A_47 = arith.muli %scan3A_45, %mul3A_46 : i32
      %add3A_48 = arith.constant 0 : i32
      %add3A_49 = arith.addi %add3A_48, %mul3A_47 : i32
      %swap3A = arith.index_cast %add3A_49 : i32 to index
      %swap3A_50 = tpu.vector_load %arg11[%swap3A] {strides = array<i32>} : memref<10000xf32, #tpu.memory_space<vmem>>, vector<16xf32>,
      tpu.vector_store %arg11[%swap3A], %broadcast_in_dim3A_3 {strides = array<i32>} : memref<10000xf32, #tpu.memory_space<vmem>>, vector<16xf32>,
    }
    %scan3A_7 = arith.constant 625 : i32
    %scan3A_8 = arith.constant 0 : i32
    %scan3A_9 = arith.constant 128 : i32
    %scan3A_10 = arith.addi %scan3A_8, %scan3A_9 : i32
    %scan3A_11 = arith.constant 1 : i32
    scf.for %scan3A_45 = %scan3A_8 to %scan3A_10 step %scan3A_11  : i32 {
      %mul3A_46 = arith.constant 1 : i32
      %mul3A_47 = arith.muli %scan3A_45, %mul3A_46 : i32
      %add3A_48 = arith.constant 0 : i32
      %add3A_49 = arith.addi %add3A_48, %mul3A_47 : i32
      %swap3A = arith.index_cast %add3A_49 : i32 to index
      %swap3A_50 = arith.constant 0 : index
      %swap3A_51 = tpu.vector_load %arg10[%swap3A, %swap3A_50] {strides = array<i32>} : memref<128x128xf32, #tpu.memory_space<vmem>>, vector<16xf32>,
      tpu.vector_store %arg10[%swap3A, %swap3A_50], %broadcast_in_dim3A_3 {strides = array<i32>} : memref<128x128xf32, #tpu.memory_space<vmem>>, vector<16xf32>,
      %swap3A_52 = arith.index_cast %add3A_49 : i32 to index
      %swap3A_53 = arith.constant 16 : index
      %swap3A_54 = tpu.vector_load %arg10[%swap3A_52, %swap3A_53] {strides = array<i32>} : memref<128x128xf32, #tpu.memory_space<vmem>>, vector<16xf32>,
      tpu.vector_store %arg10[%swap3A_52, %swap3A_53], %broadcast_in_dim3A_3 {strides = array<i32>} : memref<128x128xf32, #tpu.memory_space<vmem>>, vector<16xf32>,
      %swap3A_55 = arith.index_cast %add3A_49 : i32 to index
      %swap3A_56 = arith.constant 32 : index
      %swap3A_57 = tpu.vector_load %arg10[%swap3A_55, %swap3A_56] {strides = array<i32>} : memref<128x128xf32, #tpu.memory_space<vmem>>, vector<16xf32>,
      tpu.vector_store %arg10[%swap3A_55, %swap3A_56], %broadcast_in_dim3A_3 {strides = array<i32>} : memref<128x128xf32, #tpu.memory_space<vmem>>, vector<16xf32>,
      %swap3A_58 = arith.index_cast %add3A_49 : i32 to index
      %swap3A_59 = arith.constant 48 : index
      %swap3A_60 = tpu.vector_load %arg10[%swap3A_58, %swap3A_59] {strides = array<i32>} : memref<128x128xf32, #tpu.memory_space<vmem>>, vector<16xf32>,
      tpu.vector_store %arg10[%swap3A_58, %swap3A_59], %broadcast_in_dim3A_3 {strides = array<i32>} : memref<128x128xf32, #tpu.memory_space<vmem>>, vector<16xf32>,
      %swap3A_61 = arith.index_cast %add3A_49 : i32 to index
      %swap3A_62 = arith.constant 64 : index
      %swap3A_63 = tpu.vector_load %arg10[%swap3A_61, %swap3A_62] {strides = array<i32>} : memref<128x128xf32, #tpu.memory_space<vmem>>, vector<16xf32>,
      tpu.vector_store %arg10[%swap3A_61, %swap3A_62], %broadcast_in_dim3A_3 {strides = array<i32>} : memref<128x128xf32, #tpu.memory_space<vmem>>, vector<16xf32>,
      %swap3A_64 = arith.index_cast %add3A_49 : i32 to index
      %swap3A_65 = arith.constant 80 : index
      %swap3A_66 = tpu.vector_load %arg10[%swap3A_64, %swap3A_65] {strides = array<i32>} : memref<128x128xf32, #tpu.memory_space<vmem>>, vector<16xf32>,
      tpu.vector_store %arg10[%swap3A_64, %swap3A_65], %broadcast_in_dim3A_3 {strides = array<i32>} : memref<128x128xf32, #tpu.memory_space<vmem>>, vector<16xf32>,
      %swap3A_67 = arith.index_cast %add3A_49 : i32 to index
      %swap3A_68 = arith.constant 96 : index
      %swap3A_69 = tpu.vector_load %arg10[%swap3A_67, %swap3A_68] {strides = array<i32>} : memref<128x128xf32, #tpu.memory_space<vmem>>, vector<16xf32>,
      tpu.vector_store %arg10[%swap3A_67, %swap3A_68], %broadcast_in_dim3A_3 {strides = array<i32>} : memref<128x128xf32, #tpu.memory_space<vmem>>, vector<16xf32>,
      %swap3A_70 = arith.index_cast %add3A_49 : i32 to index
      %swap3A_71 = arith.constant 112 : index
      %swap3A_72 = tpu.vector_load %arg10[%swap3A_70, %swap3A_71] {strides = array<i32>} : memref<128x128xf32, #tpu.memory_space<vmem>>, vector<16xf32>,
      tpu.vector_store %arg10[%swap3A_70, %swap3A_71], %broadcast_in_dim3A_3 {strides = array<i32>} : memref<128x128xf32, #tpu.memory_space<vmem>>, vector<16xf32>,
    }
    %scan3A_12 = arith.constant 128 : i32
    %mul3A_13 = arith.constant 640 : i32
    %mul3A_14 = arith.muli %arg1, %mul3A_13 : i32
    %add3A_15 = arith.constant 0 : i32
    %add3A_16 = arith.addi %mul3A_14, %add3A_15 : i32
    "tpu.region"() ({
      %run_scoped3A = tpu.sem_alloc : memref<!tpu.dma_semaphore, #tpu.memory_space<semaphore_mem>>
      %dma_start3A = arith.constant 0 : i32
      %dma_start3A_45 = tpu.memref_slice %arg12[%add3A_16, %dma_start3A] : memref<10240x128xf32, #tpu.memory_space<vmem_shared>> -> memref<128x128xf32, #tpu.memory_space<vmem_shared>>
      %dma_start3A_46 = arith.constant 0 : i32
      %dma_start3A_47 = tpu.memref_slice %arg12[%add3A_16, %dma_start3A_46] : memref<10240x128xf32, #tpu.memory_space<vmem_shared>> -> memref<128x128xf32, #tpu.memory_space<vmem_shared>>
      tpu.enqueue_dma source(%arg10 : memref<128x128xf32, #tpu.memory_space<vmem>>) target(%dma_start3A_47 : memref<128x128xf32, #tpu.memory_space<vmem_shared>>) target_semaphore(%run_scoped3A : memref<!tpu.dma_semaphore, #tpu.memory_space<semaphore_mem>>)
      %dma_wait3A = arith.constant 0 : i32
      %dma_wait3A_48 = tpu.memref_slice %arg12[%add3A_16, %dma_wait3A] : memref<10240x128xf32, #tpu.memory_space<vmem_shared>> -> memref<128x128xf32, #tpu.memory_space<vmem_shared>>
      %dma_wait3A_49 = arith.constant 0 : i32
      %dma_wait3A_50 = tpu.memref_slice %arg12[%add3A_16, %dma_wait3A_49] : memref<10240x128xf32, #tpu.memory_space<vmem_shared>> -> memref<128x128xf32, #tpu.memory_space<vmem_shared>>
      tpu.wait_dma2 semaphore(%run_scoped3A : memref<!tpu.dma_semaphore, #tpu.memory_space<semaphore_mem>>) src(%arg10 : memref<128x128xf32, #tpu.memory_space<vmem>>) dst(%dma_wait3A_50 : memref<128x128xf32, #tpu.memory_space<vmem_shared>>)
      tpu.yield
    }) : () -> ()
    %mul3A_17 = arith.constant 640 : i32
    %mul3A_18 = arith.muli %arg1, %mul3A_17 : i32
    %add3A_19 = arith.constant 128 : i32
    %add3A_20 = arith.addi %mul3A_18, %add3A_19 : i32
    "tpu.region"() ({
      %run_scoped3A = tpu.sem_alloc : memref<!tpu.dma_semaphore, #tpu.memory_space<semaphore_mem>>
      %dma_start3A = arith.constant 0 : i32
      %dma_start3A_45 = tpu.memref_slice %arg12[%add3A_20, %dma_start3A] : memref<10240x128xf32, #tpu.memory_space<vmem_shared>> -> memref<128x128xf32, #tpu.memory_space<vmem_shared>>
      %dma_start3A_46 = arith.constant 0 : i32
      %dma_start3A_47 = tpu.memref_slice %arg12[%add3A_20, %dma_start3A_46] : memref<10240x128xf32, #tpu.memory_space<vmem_shared>> -> memref<128x128xf32, #tpu.memory_space<vmem_shared>>
      tpu.enqueue_dma source(%arg10 : memref<128x128xf32, #tpu.memory_space<vmem>>) target(%dma_start3A_47 : memref<128x128xf32, #tpu.memory_space<vmem_shared>>) target_semaphore(%run_scoped3A : memref<!tpu.dma_semaphore, #tpu.memory_space<semaphore_mem>>)
      %dma_wait3A = arith.constant 0 : i32
      %dma_wait3A_48 = tpu.memref_slice %arg12[%add3A_20, %dma_wait3A] : memref<10240x128xf32, #tpu.memory_space<vmem_shared>> -> memref<128x128xf32, #tpu.memory_space<vmem_shared>>
      %dma_wait3A_49 = arith.constant 0 : i32
      %dma_wait3A_50 = tpu.memref_slice %arg12[%add3A_20, %dma_wait3A_49] : memref<10240x128xf32, #tpu.memory_space<vmem_shared>> -> memref<128x128xf32, #tpu.memory_space<vmem_shared>>
      tpu.wait_dma2 semaphore(%run_scoped3A : memref<!tpu.dma_semaphore, #tpu.memory_space<semaphore_mem>>) src(%arg10 : memref<128x128xf32, #tpu.memory_space<vmem>>) dst(%dma_wait3A_50 : memref<128x128xf32, #tpu.memory_space<vmem_shared>>)
      tpu.yield
    }) : () -> ()
    %mul3A_21 = arith.constant 640 : i32
    %mul3A_22 = arith.muli %arg1, %mul3A_21 : i32
    %add3A_23 = arith.constant 256 : i32
    %add3A_24 = arith.addi %mul3A_22, %add3A_23 : i32
    "tpu.region"() ({
      %run_scoped3A = tpu.sem_alloc : memref<!tpu.dma_semaphore, #tpu.memory_space<semaphore_mem>>
      %dma_start3A = arith.constant 0 : i32
      %dma_start3A_45 = tpu.memref_slice %arg12[%add3A_24, %dma_start3A] : memref<10240x128xf32, #tpu.memory_space<vmem_shared>> -> memref<128x128xf32, #tpu.memory_space<vmem_shared>>
      %dma_start3A_46 = arith.constant 0 : i32
      %dma_start3A_47 = tpu.memref_slice %arg12[%add3A_24, %dma_start3A_46] : memref<10240x128xf32, #tpu.memory_space<vmem_shared>> -> memref<128x128xf32, #tpu.memory_space<vmem_shared>>
      tpu.enqueue_dma source(%arg10 : memref<128x128xf32, #tpu.memory_space<vmem>>) target(%dma_start3A_47 : memref<128x128xf32, #tpu.memory_space<vmem_shared>>) target_semaphore(%run_scoped3A : memref<!tpu.dma_semaphore, #tpu.memory_space<semaphore_mem>>)
      %dma_wait3A = arith.constant 0 : i32
      %dma_wait3A_48 = tpu.memref_slice %arg12[%add3A_24, %dma_wait3A] : memref<10240x128xf32, #tpu.memory_space<vmem_shared>> -> memref<128x128xf32, #tpu.memory_space<vmem_shared>>
      %dma_wait3A_49 = arith.constant 0 : i32
      %dma_wait3A_50 = tpu.memref_slice %arg12[%add3A_24, %dma_wait3A_49] : memref<10240x128xf32, #tpu.memory_space<vmem_shared>> -> memref<128x128xf32, #tpu.memory_space<vmem_shared>>
      tpu.wait_dma2 semaphore(%run_scoped3A : memref<!tpu.dma_semaphore, #tpu.memory_space<semaphore_mem>>) src(%arg10 : memref<128x128xf32, #tpu.memory_space<vmem>>) dst(%dma_wait3A_50 : memref<128x128xf32, #tpu.memory_space<vmem_shared>>)
      tpu.yield
    }) : () -> ()
    %mul3A_25 = arith.constant 640 : i32
    %mul3A_26 = arith.muli %arg1, %mul3A_25 : i32
    %add3A_27 = arith.constant 384 : i32
    %add3A_28 = arith.addi %mul3A_26, %add3A_27 : i32
    "tpu.region"() ({
      %run_scoped3A = tpu.sem_alloc : memref<!tpu.dma_semaphore, #tpu.memory_space<semaphore_mem>>
      %dma_start3A = arith.constant 0 : i32
      %dma_start3A_45 = tpu.memref_slice %arg12[%add3A_28, %dma_start3A] : memref<10240x128xf32, #tpu.memory_space<vmem_shared>> -> memref<128x128xf32, #tpu.memory_space<vmem_shared>>
      %dma_start3A_46 = arith.constant 0 : i32
      %dma_start3A_47 = tpu.memref_slice %arg12[%add3A_28, %dma_start3A_46] : memref<10240x128xf32, #tpu.memory_space<vmem_shared>> -> memref<128x128xf32, #tpu.memory_space<vmem_shared>>
      tpu.enqueue_dma source(%arg10 : memref<128x128xf32, #tpu.memory_space<vmem>>) target(%dma_start3A_47 : memref<128x128xf32, #tpu.memory_space<vmem_shared>>) target_semaphore(%run_scoped3A : memref<!tpu.dma_semaphore, #tpu.memory_space<semaphore_mem>>)
      %dma_wait3A = arith.constant 0 : i32
      %dma_wait3A_48 = tpu.memref_slice %arg12[%add3A_28, %dma_wait3A] : memref<10240x128xf32, #tpu.memory_space<vmem_shared>> -> memref<128x128xf32, #tpu.memory_space<vmem_shared>>
      %dma_wait3A_49 = arith.constant 0 : i32
      %dma_wait3A_50 = tpu.memref_slice %arg12[%add3A_28, %dma_wait3A_49] : memref<10240x128xf32, #tpu.memory_space<vmem_shared>> -> memref<128x128xf32, #tpu.memory_space<vmem_shared>>
      tpu.wait_dma2 semaphore(%run_scoped3A : memref<!tpu.dma_semaphore, #tpu.memory_space<semaphore_mem>>) src(%arg10 : memref<128x128xf32, #tpu.memory_space<vmem>>) dst(%dma_wait3A_50 : memref<128x128xf32, #tpu.memory_space<vmem_shared>>)
      tpu.yield
    }) : () -> ()
    %mul3A_29 = arith.constant 640 : i32
    %mul3A_30 = arith.muli %arg1, %mul3A_29 : i32
    %add3A_31 = arith.constant 512 : i32
    %add3A_32 = arith.addi %mul3A_30, %add3A_31 : i32
    "tpu.region"() ({
      %run_scoped3A = tpu.sem_alloc : memref<!tpu.dma_semaphore, #tpu.memory_space<semaphore_mem>>
      %dma_start3A = arith.constant 0 : i32
      %dma_start3A_45 = tpu.memref_slice %arg12[%add3A_32, %dma_start3A] : memref<10240x128xf32, #tpu.memory_space<vmem_shared>> -> memref<128x128xf32, #tpu.memory_space<vmem_shared>>
      %dma_start3A_46 = arith.constant 0 : i32
      %dma_start3A_47 = tpu.memref_slice %arg12[%add3A_32, %dma_start3A_46] : memref<10240x128xf32, #tpu.memory_space<vmem_shared>> -> memref<128x128xf32, #tpu.memory_space<vmem_shared>>
      tpu.enqueue_dma source(%arg10 : memref<128x128xf32, #tpu.memory_space<vmem>>) target(%dma_start3A_47 : memref<128x128xf32, #tpu.memory_space<vmem_shared>>) target_semaphore(%run_scoped3A : memref<!tpu.dma_semaphore, #tpu.memory_space<semaphore_mem>>)
      %dma_wait3A = arith.constant 0 : i32
      %dma_wait3A_48 = tpu.memref_slice %arg12[%add3A_32, %dma_wait3A] : memref<10240x128xf32, #tpu.memory_space<vmem_shared>> -> memref<128x128xf32, #tpu.memory_space<vmem_shared>>
      %dma_wait3A_49 = arith.constant 0 : i32
      %dma_wait3A_50 = tpu.memref_slice %arg12[%add3A_32, %dma_wait3A_49] : memref<10240x128xf32, #tpu.memory_space<vmem_shared>> -> memref<128x128xf32, #tpu.memory_space<vmem_shared>>
      tpu.wait_dma2 semaphore(%run_scoped3A : memref<!tpu.dma_semaphore, #tpu.memory_space<semaphore_mem>>) src(%arg10 : memref<128x128xf32, #tpu.memory_space<vmem>>) dst(%dma_wait3A_50 : memref<128x128xf32, #tpu.memory_space<vmem_shared>>)
      tpu.yield
    }) : () -> ()
    %barrier3A = arith.constant 0 : index
    tpu.barrier barrier_id(%barrier3A)
    %scan3A_33 = arith.constant 0 : i32
    %scan3A_34 = arith.constant 80 : i32
    %scan3A_35 = arith.addi %scan3A_33, %scan3A_34 : i32
    %scan3A_36 = arith.constant 1 : i32
    scf.for %scan3A_45 = %scan3A_33 to %scan3A_35 step %scan3A_36  : i32 {
      %mul3A_46 = arith.constant 1 : i32
      %mul3A_47 = arith.muli %scan3A_45, %mul3A_46 : i32
      %add3A_48 = arith.constant 0 : i32
      %add3A_49 = arith.addi %add3A_48, %mul3A_47 : i32
      %mul3A_50 = arith.constant 128 : i32
      %mul3A_51 = arith.muli %add3A_49, %mul3A_50 : i32
      %add3A_52 = arith.addi %mul3A_2, %mul3A_51 : i32
      "tpu.region"() ({
        %run_scoped3A = tpu.sem_alloc : memref<!tpu.dma_semaphore, #tpu.memory_space<semaphore_mem>>
        %dma_start3A_132 = arith.constant 0 : i32
        %dma_start3A_133 = tpu.memref_slice %arg2[%dma_start3A_132, %add3A_52] : memref<2x327680xi32, #tpu.memory_space<hbm>> -> memref<2x128xi32, #tpu.memory_space<hbm>>
        %dma_start3A_134 = arith.constant 0 : i32
        %dma_start3A_135 = tpu.memref_slice %arg2[%dma_start3A_134, %add3A_52] : memref<2x327680xi32, #tpu.memory_space<hbm>> -> memref<2x128xi32, #tpu.memory_space<hbm>>
        tpu.enqueue_dma source(%dma_start3A_135 : memref<2x128xi32, #tpu.memory_space<hbm>>) target(%arg7 : memref<2x128xi32, #tpu.memory_space<vmem>>) target_semaphore(%run_scoped3A : memref<!tpu.dma_semaphore, #tpu.memory_space<semaphore_mem>>)
        %dma_wait3A_136 = arith.constant 0 : i32
        %dma_wait3A_137 = tpu.memref_slice %arg2[%dma_wait3A_136, %add3A_52] : memref<2x327680xi32, #tpu.memory_space<hbm>> -> memref<2x128xi32, #tpu.memory_space<hbm>>
        %dma_wait3A_138 = arith.constant 0 : i32
        %dma_wait3A_139 = tpu.memref_slice %arg2[%dma_wait3A_138, %add3A_52] : memref<2x327680xi32, #tpu.memory_space<hbm>> -> memref<2x128xi32, #tpu.memory_space<hbm>>
        tpu.wait_dma2 semaphore(%run_scoped3A : memref<!tpu.dma_semaphore, #tpu.memory_space<semaphore_mem>>) src(%dma_wait3A_139 : memref<2x128xi32, #tpu.memory_space<hbm>>) dst(%arg7 : memref<2x128xi32, #tpu.memory_space<vmem>>)
        tpu.yield
      }) : () -> ()
      "tpu.region"() ({
        %run_scoped3A = tpu.sem_alloc : memref<!tpu.dma_semaphore, #tpu.memory_space<semaphore_mem>>
        %dma_start3A_132 = tpu.memref_slice %arg3[%add3A_52] : memref<327680xf32, #tpu.memory_space<hbm>> -> memref<128xf32, #tpu.memory_space<hbm>>
        %dma_start3A_133 = tpu.memref_slice %arg3[%add3A_52] : memref<327680xf32, #tpu.memory_space<hbm>> -> memref<128xf32, #tpu.memory_space<hbm>>
        tpu.enqueue_dma source(%dma_start3A_133 : memref<128xf32, #tpu.memory_space<hbm>>) target(%arg8 : memref<128xf32, #tpu.memory_space<vmem>>) target_semaphore(%run_scoped3A : memref<!tpu.dma_semaphore, #tpu.memory_space<semaphore_mem>>)
        %dma_wait3A_134 = tpu.memref_slice %arg3[%add3A_52] : memref<327680xf32, #tpu.memory_space<hbm>> -> memref<128xf32, #tpu.memory_space<hbm>>
        %dma_wait3A_135 = tpu.memref_slice %arg3[%add3A_52] : memref<327680xf32, #tpu.memory_space<hbm>> -> memref<128xf32, #tpu.memory_space<hbm>>
        tpu.wait_dma2 semaphore(%run_scoped3A : memref<!tpu.dma_semaphore, #tpu.memory_space<semaphore_mem>>) src(%dma_wait3A_135 : memref<128xf32, #tpu.memory_space<hbm>>) dst(%arg8 : memref<128xf32, #tpu.memory_space<vmem>>)
        tpu.yield
      }) : () -> ()
      %dma_start3A = arith.constant 1 : i32
      %dma_start3A_53 = arith.constant 0 : i32
      %dma_start3A_54 = tpu.memref_slice %arg7[%dma_start3A, %dma_start3A_53] : memref<2x128xi32, #tpu.memory_space<vmem>> -> memref<1x128xi32, #tpu.memory_space<vmem>>
      %dma_start3A_55 = tpu.memref_squeeze %dma_start3A_54 : memref<1x128xi32, #tpu.memory_space<vmem>> -> memref<128xi32, #tpu.memory_space<vmem>>
      %dma_start3A_56 = arith.constant 0 : i32
      %dma_start3A_57 = arith.constant 0 : i32
      %dma_start3A_58 = tpu.memref_slice %arg4[%dma_start3A_56, %dma_start3A_57] : memref<10000x128xf32, #tpu.memory_space<hbm>> -> memref<10000x128xf32, #tpu.memory_space<hbm>>
      tpu.enqueue_indirect_dma source(%dma_start3A_58 : memref<10000x128xf32, #tpu.memory_space<hbm>>) target(%arg10 : memref<128x128xf32, #tpu.memory_space<vmem>>) offsets(%dma_start3A_55 : memref<128xi32, #tpu.memory_space<vmem>>) semaphore(%arg13 : memref<!tpu.dma_semaphore, #tpu.memory_space<semaphore_mem>>)
      %dma_wait3A = arith.constant 1 : i32
      %dma_wait3A_59 = arith.constant 0 : i32
      %dma_wait3A_60 = tpu.memref_slice %arg7[%dma_wait3A, %dma_wait3A_59] : memref<2x128xi32, #tpu.memory_space<vmem>> -> memref<1x128xi32, #tpu.memory_space<vmem>>
      %dma_wait3A_61 = tpu.memref_squeeze %dma_wait3A_60 : memref<1x128xi32, #tpu.memory_space<vmem>> -> memref<128xi32, #tpu.memory_space<vmem>>
      %dma_wait3A_62 = arith.constant 0 : i32
      %dma_wait3A_63 = arith.constant 0 : i32
      %dma_wait3A_64 = tpu.memref_slice %arg4[%dma_wait3A_62, %dma_wait3A_63] : memref<10000x128xf32, #tpu.memory_space<hbm>> -> memref<10000x128xf32, #tpu.memory_space<hbm>>
      tpu.wait_indirect_dma semaphore(%arg13 : memref<!tpu.dma_semaphore, #tpu.memory_space<semaphore_mem>>) src(%dma_wait3A_64 : memref<10000x128xf32, #tpu.memory_space<hbm>>) dst(%arg10 : memref<128x128xf32, #tpu.memory_space<vmem>>)
      %get3A = arith.constant 0 : i32
      %get3A_65 = arith.index_cast %get3A : i32 to index
      %get3A_66 = arith.constant 0 : index
      %get3A_67 = tpu.vector_load %arg7[%get3A_65, %get3A_66] {strides = array<i32>} : memref<2x128xi32, #tpu.memory_space<vmem>>, vector<16xi32>,
      %swap3A = arith.constant 0 : index
      %swap3A_68 = tpu.vector_load %arg9[%swap3A] {strides = array<i32>} : memref<128xi32, #tpu.memory_space<vmem>>, vector<16xi32>,
      tpu.vector_store %arg9[%swap3A], %get3A_67 {strides = array<i32>} : memref<128xi32, #tpu.memory_space<vmem>>, vector<16xi32>,
      %get3A_69 = arith.constant 0 : index
      %get3A_70 = tpu.vector_load %arg8[%get3A_69] {strides = array<i32>} : memref<128xf32, #tpu.memory_space<vmem>>, vector<16xf32>,
      tpu.vector_store_idx %arg11[%get3A_67], %get3A_70 {add = true} : memref<10000xf32, #tpu.memory_space<vmem>>[vector<16xi32>], vector<16xf32>,
      %get3A_71 = arith.constant 0 : i32
      %get3A_72 = arith.index_cast %get3A_71 : i32 to index
      %get3A_73 = arith.constant 16 : index
      %get3A_74 = tpu.vector_load %arg7[%get3A_72, %get3A_73] {strides = array<i32>} : memref<2x128xi32, #tpu.memory_space<vmem>>, vector<16xi32>,
      %swap3A_75 = arith.constant 16 : index
      %swap3A_76 = tpu.vector_load %arg9[%swap3A_75] {strides = array<i32>} : memref<128xi32, #tpu.memory_space<vmem>>, vector<16xi32>,
      tpu.vector_store %arg9[%swap3A_75], %get3A_74 {strides = array<i32>} : memref<128xi32, #tpu.memory_space<vmem>>, vector<16xi32>,
      %get3A_77 = arith.constant 16 : index
      %get3A_78 = tpu.vector_load %arg8[%get3A_77] {strides = array<i32>} : memref<128xf32, #tpu.memory_space<vmem>>, vector<16xf32>,
      tpu.vector_store_idx %arg11[%get3A_74], %get3A_78 {add = true} : memref<10000xf32, #tpu.memory_space<vmem>>[vector<16xi32>], vector<16xf32>,
      %get3A_79 = arith.constant 0 : i32
      %get3A_80 = arith.index_cast %get3A_79 : i32 to index
      %get3A_81 = arith.constant 32 : index
      %get3A_82 = tpu.vector_load %arg7[%get3A_80, %get3A_81] {strides = array<i32>} : memref<2x128xi32, #tpu.memory_space<vmem>>, vector<16xi32>,
      %swap3A_83 = arith.constant 32 : index
      %swap3A_84 = tpu.vector_load %arg9[%swap3A_83] {strides = array<i32>} : memref<128xi32, #tpu.memory_space<vmem>>, vector<16xi32>,
      tpu.vector_store %arg9[%swap3A_83], %get3A_82 {strides = array<i32>} : memref<128xi32, #tpu.memory_space<vmem>>, vector<16xi32>,
      %get3A_85 = arith.constant 32 : index
      %get3A_86 = tpu.vector_load %arg8[%get3A_85] {strides = array<i32>} : memref<128xf32, #tpu.memory_space<vmem>>, vector<16xf32>,
      tpu.vector_store_idx %arg11[%get3A_82], %get3A_86 {add = true} : memref<10000xf32, #tpu.memory_space<vmem>>[vector<16xi32>], vector<16xf32>,
      %get3A_87 = arith.constant 0 : i32
      %get3A_88 = arith.index_cast %get3A_87 : i32 to index
      %get3A_89 = arith.constant 48 : index
      %get3A_90 = tpu.vector_load %arg7[%get3A_88, %get3A_89] {strides = array<i32>} : memref<2x128xi32, #tpu.memory_space<vmem>>, vector<16xi32>,
      %swap3A_91 = arith.constant 48 : index
      %swap3A_92 = tpu.vector_load %arg9[%swap3A_91] {strides = array<i32>} : memref<128xi32, #tpu.memory_space<vmem>>, vector<16xi32>,
      tpu.vector_store %arg9[%swap3A_91], %get3A_90 {strides = array<i32>} : memref<128xi32, #tpu.memory_space<vmem>>, vector<16xi32>,
      %get3A_93 = arith.constant 48 : index
      %get3A_94 = tpu.vector_load %arg8[%get3A_93] {strides = array<i32>} : memref<128xf32, #tpu.memory_space<vmem>>, vector<16xf32>,
      tpu.vector_store_idx %arg11[%get3A_90], %get3A_94 {add = true} : memref<10000xf32, #tpu.memory_space<vmem>>[vector<16xi32>], vector<16xf32>,
      %get3A_95 = arith.constant 0 : i32
      %get3A_96 = arith.index_cast %get3A_95 : i32 to index
      %get3A_97 = arith.constant 64 : index
      %get3A_98 = tpu.vector_load %arg7[%get3A_96, %get3A_97] {strides = array<i32>} : memref<2x128xi32, #tpu.memory_space<vmem>>, vector<16xi32>,
      %swap3A_99 = arith.constant 64 : index
      %swap3A_100 = tpu.vector_load %arg9[%swap3A_99] {strides = array<i32>} : memref<128xi32, #tpu.memory_space<vmem>>, vector<16xi32>,
      tpu.vector_store %arg9[%swap3A_99], %get3A_98 {strides = array<i32>} : memref<128xi32, #tpu.memory_space<vmem>>, vector<16xi32>,
      %get3A_101 = arith.constant 64 : index
      %get3A_102 = tpu.vector_load %arg8[%get3A_101] {strides = array<i32>} : memref<128xf32, #tpu.memory_space<vmem>>, vector<16xf32>,
      tpu.vector_store_idx %arg11[%get3A_98], %get3A_102 {add = true} : memref<10000xf32, #tpu.memory_space<vmem>>[vector<16xi32>], vector<16xf32>,
      %get3A_103 = arith.constant 0 : i32
      %get3A_104 = arith.index_cast %get3A_103 : i32 to index
      %get3A_105 = arith.constant 80 : index
      %get3A_106 = tpu.vector_load %arg7[%get3A_104, %get3A_105] {strides = array<i32>} : memref<2x128xi32, #tpu.memory_space<vmem>>, vector<16xi32>,
      %swap3A_107 = arith.constant 80 : index
      %swap3A_108 = tpu.vector_load %arg9[%swap3A_107] {strides = array<i32>} : memref<128xi32, #tpu.memory_space<vmem>>, vector<16xi32>,
      tpu.vector_store %arg9[%swap3A_107], %get3A_106 {strides = array<i32>} : memref<128xi32, #tpu.memory_space<vmem>>, vector<16xi32>,
      %get3A_109 = arith.constant 80 : index
      %get3A_110 = tpu.vector_load %arg8[%get3A_109] {strides = array<i32>} : memref<128xf32, #tpu.memory_space<vmem>>, vector<16xf32>,
      tpu.vector_store_idx %arg11[%get3A_106], %get3A_110 {add = true} : memref<10000xf32, #tpu.memory_space<vmem>>[vector<16xi32>], vector<16xf32>,
      %get3A_111 = arith.constant 0 : i32
      %get3A_112 = arith.index_cast %get3A_111 : i32 to index
      %get3A_113 = arith.constant 96 : index
      %get3A_114 = tpu.vector_load %arg7[%get3A_112, %get3A_113] {strides = array<i32>} : memref<2x128xi32, #tpu.memory_space<vmem>>, vector<16xi32>,
      %swap3A_115 = arith.constant 96 : index
      %swap3A_116 = tpu.vector_load %arg9[%swap3A_115] {strides = array<i32>} : memref<128xi32, #tpu.memory_space<vmem>>, vector<16xi32>,
      tpu.vector_store %arg9[%swap3A_115], %get3A_114 {strides = array<i32>} : memref<128xi32, #tpu.memory_space<vmem>>, vector<16xi32>,
      %get3A_117 = arith.constant 96 : index
      %get3A_118 = tpu.vector_load %arg8[%get3A_117] {strides = array<i32>} : memref<128xf32, #tpu.memory_space<vmem>>, vector<16xf32>,
      tpu.vector_store_idx %arg11[%get3A_114], %get3A_118 {add = true} : memref<10000xf32, #tpu.memory_space<vmem>>[vector<16xi32>], vector<16xf32>,
      %get3A_119 = arith.constant 0 : i32
      %get3A_120 = arith.index_cast %get3A_119 : i32 to index
      %get3A_121 = arith.constant 112 : index
      %get3A_122 = tpu.vector_load %arg7[%get3A_120, %get3A_121] {strides = array<i32>} : memref<2x128xi32, #tpu.memory_space<vmem>>, vector<16xi32>,
      %swap3A_123 = arith.constant 112 : index
      %swap3A_124 = tpu.vector_load %arg9[%swap3A_123] {strides = array<i32>} : memref<128xi32, #tpu.memory_space<vmem>>, vector<16xi32>,
      tpu.vector_store %arg9[%swap3A_123], %get3A_122 {strides = array<i32>} : memref<128xi32, #tpu.memory_space<vmem>>, vector<16xi32>,
      %get3A_125 = arith.constant 112 : index
      %get3A_126 = tpu.vector_load %arg8[%get3A_125] {strides = array<i32>} : memref<128xf32, #tpu.memory_space<vmem>>, vector<16xf32>,
      tpu.vector_store_idx %arg11[%get3A_122], %get3A_126 {add = true} : memref<10000xf32, #tpu.memory_space<vmem>>[vector<16xi32>], vector<16xf32>,
      %scan3A_127 = arith.constant 0 : i32
      %scan3A_128 = arith.constant 128 : i32
      %scan3A_129 = arith.addi %scan3A_127, %scan3A_128 : i32
      %scan3A_130 = arith.constant 1 : i32
      scf.for %scan3A_132 = %scan3A_127 to %scan3A_129 step %scan3A_130  : i32 {
        %mul3A_133 = arith.constant 1 : i32
        %mul3A_134 = arith.muli %scan3A_132, %mul3A_133 : i32
        %add3A_135 = arith.constant 0 : i32
        %add3A_136 = arith.addi %add3A_135, %mul3A_134 : i32
        %broadcast_in_dim3A_137 = vector.broadcast %add3A_136 : i32 to vector<16xi32>
        %gather3A = tpu.vector_load_idx %arg8[%broadcast_in_dim3A_137] : memref<128xf32, #tpu.memory_space<vmem>>[vector<16xi32>], vector<16xf32>,
        %get3A_138 = arith.index_cast %add3A_136 : i32 to index
        %get3A_139 = arith.constant 0 : index
        %get3A_140 = tpu.vector_load %arg10[%get3A_138, %get3A_139] {strides = array<i32>} : memref<128x128xf32, #tpu.memory_space<vmem>>, vector<16xf32>,
        %mul3A_141 = arith.mulf %get3A_140, %gather3A : vector<16xf32>
        %swap3A_142 = arith.index_cast %add3A_136 : i32 to index
        %swap3A_143 = arith.constant 0 : index
        %swap3A_144 = tpu.vector_load %arg10[%swap3A_142, %swap3A_143] {strides = array<i32>} : memref<128x128xf32, #tpu.memory_space<vmem>>, vector<16xf32>,
        tpu.vector_store %arg10[%swap3A_142, %swap3A_143], %mul3A_141 {strides = array<i32>} : memref<128x128xf32, #tpu.memory_space<vmem>>, vector<16xf32>,
        %get3A_145 = arith.index_cast %add3A_136 : i32 to index
        %get3A_146 = arith.constant 16 : index
        %get3A_147 = tpu.vector_load %arg10[%get3A_145, %get3A_146] {strides = array<i32>} : memref<128x128xf32, #tpu.memory_space<vmem>>, vector<16xf32>,
        %mul3A_148 = arith.mulf %get3A_147, %gather3A : vector<16xf32>
        %swap3A_149 = arith.index_cast %add3A_136 : i32 to index
        %swap3A_150 = arith.constant 16 : index
        %swap3A_151 = tpu.vector_load %arg10[%swap3A_149, %swap3A_150] {strides = array<i32>} : memref<128x128xf32, #tpu.memory_space<vmem>>, vector<16xf32>,
        tpu.vector_store %arg10[%swap3A_149, %swap3A_150], %mul3A_148 {strides = array<i32>} : memref<128x128xf32, #tpu.memory_space<vmem>>, vector<16xf32>,
        %get3A_152 = arith.index_cast %add3A_136 : i32 to index
        %get3A_153 = arith.constant 32 : index
        %get3A_154 = tpu.vector_load %arg10[%get3A_152, %get3A_153] {strides = array<i32>} : memref<128x128xf32, #tpu.memory_space<vmem>>, vector<16xf32>,
        %mul3A_155 = arith.mulf %get3A_154, %gather3A : vector<16xf32>
        %swap3A_156 = arith.index_cast %add3A_136 : i32 to index
        %swap3A_157 = arith.constant 32 : index
        %swap3A_158 = tpu.vector_load %arg10[%swap3A_156, %swap3A_157] {strides = array<i32>} : memref<128x128xf32, #tpu.memory_space<vmem>>, vector<16xf32>,
        tpu.vector_store %arg10[%swap3A_156, %swap3A_157], %mul3A_155 {strides = array<i32>} : memref<128x128xf32, #tpu.memory_space<vmem>>, vector<16xf32>,
        %get3A_159 = arith.index_cast %add3A_136 : i32 to index
        %get3A_160 = arith.constant 48 : index
        %get3A_161 = tpu.vector_load %arg10[%get3A_159, %get3A_160] {strides = array<i32>} : memref<128x128xf32, #tpu.memory_space<vmem>>, vector<16xf32>,
        %mul3A_162 = arith.mulf %get3A_161, %gather3A : vector<16xf32>
        %swap3A_163 = arith.index_cast %add3A_136 : i32 to index
        %swap3A_164 = arith.constant 48 : index
        %swap3A_165 = tpu.vector_load %arg10[%swap3A_163, %swap3A_164] {strides = array<i32>} : memref<128x128xf32, #tpu.memory_space<vmem>>, vector<16xf32>,
        tpu.vector_store %arg10[%swap3A_163, %swap3A_164], %mul3A_162 {strides = array<i32>} : memref<128x128xf32, #tpu.memory_space<vmem>>, vector<16xf32>,
        %get3A_166 = arith.index_cast %add3A_136 : i32 to index
        %get3A_167 = arith.constant 64 : index
        %get3A_168 = tpu.vector_load %arg10[%get3A_166, %get3A_167] {strides = array<i32>} : memref<128x128xf32, #tpu.memory_space<vmem>>, vector<16xf32>,
        %mul3A_169 = arith.mulf %get3A_168, %gather3A : vector<16xf32>
        %swap3A_170 = arith.index_cast %add3A_136 : i32 to index
        %swap3A_171 = arith.constant 64 : index
        %swap3A_172 = tpu.vector_load %arg10[%swap3A_170, %swap3A_171] {strides = array<i32>} : memref<128x128xf32, #tpu.memory_space<vmem>>, vector<16xf32>,
        tpu.vector_store %arg10[%swap3A_170, %swap3A_171], %mul3A_169 {strides = array<i32>} : memref<128x128xf32, #tpu.memory_space<vmem>>, vector<16xf32>,
        %get3A_173 = arith.index_cast %add3A_136 : i32 to index
        %get3A_174 = arith.constant 80 : index
        %get3A_175 = tpu.vector_load %arg10[%get3A_173, %get3A_174] {strides = array<i32>} : memref<128x128xf32, #tpu.memory_space<vmem>>, vector<16xf32>,
        %mul3A_176 = arith.mulf %get3A_175, %gather3A : vector<16xf32>
        %swap3A_177 = arith.index_cast %add3A_136 : i32 to index
        %swap3A_178 = arith.constant 80 : index
        %swap3A_179 = tpu.vector_load %arg10[%swap3A_177, %swap3A_178] {strides = array<i32>} : memref<128x128xf32, #tpu.memory_space<vmem>>, vector<16xf32>,
        tpu.vector_store %arg10[%swap3A_177, %swap3A_178], %mul3A_176 {strides = array<i32>} : memref<128x128xf32, #tpu.memory_space<vmem>>, vector<16xf32>,
        %get3A_180 = arith.index_cast %add3A_136 : i32 to index
        %get3A_181 = arith.constant 96 : index
        %get3A_182 = tpu.vector_load %arg10[%get3A_180, %get3A_181] {strides = array<i32>} : memref<128x128xf32, #tpu.memory_space<vmem>>, vector<16xf32>,
        %mul3A_183 = arith.mulf %get3A_182, %gather3A : vector<16xf32>
        %swap3A_184 = arith.index_cast %add3A_136 : i32 to index
        %swap3A_185 = arith.constant 96 : index
        %swap3A_186 = tpu.vector_load %arg10[%swap3A_184, %swap3A_185] {strides = array<i32>} : memref<128x128xf32, #tpu.memory_space<vmem>>, vector<16xf32>,
        tpu.vector_store %arg10[%swap3A_184, %swap3A_185], %mul3A_183 {strides = array<i32>} : memref<128x128xf32, #tpu.memory_space<vmem>>, vector<16xf32>,
        %get3A_187 = arith.index_cast %add3A_136 : i32 to index
        %get3A_188 = arith.constant 112 : index
        %get3A_189 = tpu.vector_load %arg10[%get3A_187, %get3A_188] {strides = array<i32>} : memref<128x128xf32, #tpu.memory_space<vmem>>, vector<16xf32>,
        %mul3A_190 = arith.mulf %get3A_189, %gather3A : vector<16xf32>
        %swap3A_191 = arith.index_cast %add3A_136 : i32 to index
        %swap3A_192 = arith.constant 112 : index
        %swap3A_193 = tpu.vector_load %arg10[%swap3A_191, %swap3A_192] {strides = array<i32>} : memref<128x128xf32, #tpu.memory_space<vmem>>, vector<16xf32>,
        tpu.vector_store %arg10[%swap3A_191, %swap3A_192], %mul3A_190 {strides = array<i32>} : memref<128x128xf32, #tpu.memory_space<vmem>>, vector<16xf32>,
      }
      %scan3A_131 = arith.constant 128 : i32
      "tpu.region"() ({
        %run_scoped3A = tpu.sem_alloc : memref<!tpu.dma_semaphore, #tpu.memory_space<semaphore_mem>>
        %dma_start3A_132 = arith.constant 0 : i32
        %dma_start3A_133 = arith.constant 0 : i32
        %dma_start3A_134 = tpu.memref_slice %arg12[%dma_start3A_132, %dma_start3A_133] : memref<10240x128xf32, #tpu.memory_space<vmem_shared>> -> memref<10240x128xf32, #tpu.memory_space<vmem_shared>>
        tpu.enqueue_indirect_dma source(%arg10 : memref<128x128xf32, #tpu.memory_space<vmem>>) target(%dma_start3A_134 : memref<10240x128xf32, #tpu.memory_space<vmem_shared>>) offsets(%arg9 : memref<128xi32, #tpu.memory_space<vmem>>) semaphore(%run_scoped3A : memref<!tpu.dma_semaphore, #tpu.memory_space<semaphore_mem>>) {add = true}
        %dma_wait3A_135 = arith.constant 0 : i32
        %dma_wait3A_136 = arith.constant 0 : i32
        %dma_wait3A_137 = tpu.memref_slice %arg12[%dma_wait3A_135, %dma_wait3A_136] : memref<10240x128xf32, #tpu.memory_space<vmem_shared>> -> memref<10240x128xf32, #tpu.memory_space<vmem_shared>>
        tpu.wait_indirect_dma semaphore(%run_scoped3A : memref<!tpu.dma_semaphore, #tpu.memory_space<semaphore_mem>>) src(%arg10 : memref<128x128xf32, #tpu.memory_space<vmem>>) dst(%dma_wait3A_137 : memref<10240x128xf32, #tpu.memory_space<vmem_shared>>)
        tpu.yield
      }) : () -> ()
    }
    %scan3A_37 = arith.constant 80 : i32
    %barrier3A_38 = arith.constant 0 : index
    tpu.barrier barrier_id(%barrier3A_38)
    %mul3A_39 = arith.constant 640 : i32
    %mul3A_40 = arith.muli %arg1, %mul3A_39 : i32
    %mul3A_41 = arith.constant 640 : i32
    %mul3A_42 = arith.muli %arg1, %mul3A_41 : i32
    "tpu.region"() ({
      %run_scoped3A = tpu.sem_alloc : memref<!tpu.dma_semaphore, #tpu.memory_space<semaphore_mem>>
      %dma_start3A = arith.constant 0 : i32
      %dma_start3A_45 = tpu.memref_slice %arg5[%arg0, %mul3A_42, %dma_start3A] : memref<2x10240x128xf32, #tpu.memory_space<hbm>> -> memref<1x640x128xf32, #tpu.memory_space<hbm>>
      %dma_start3A_46 = tpu.memref_squeeze %dma_start3A_45 : memref<1x640x128xf32, #tpu.memory_space<hbm>> -> memref<640x128xf32, #tpu.memory_space<hbm>>
      %dma_start3A_47 = arith.constant 0 : i32
      %dma_start3A_48 = tpu.memref_slice %arg12[%mul3A_40, %dma_start3A_47] : memref<10240x128xf32, #tpu.memory_space<vmem_shared>> -> memref<640x128xf32, #tpu.memory_space<vmem_shared>>
      tpu.enqueue_dma source(%dma_start3A_48 : memref<640x128xf32, #tpu.memory_space<vmem_shared>>) target(%dma_start3A_46 : memref<640x128xf32, #tpu.memory_space<hbm>>) target_semaphore(%run_scoped3A : memref<!tpu.dma_semaphore, #tpu.memory_space<semaphore_mem>>)
      %dma_wait3A = arith.constant 0 : i32
      %dma_wait3A_49 = tpu.memref_slice %arg5[%arg0, %mul3A_42, %dma_wait3A] : memref<2x10240x128xf32, #tpu.memory_space<hbm>> -> memref<1x640x128xf32, #tpu.memory_space<hbm>>
      %dma_wait3A_50 = tpu.memref_squeeze %dma_wait3A_49 : memref<1x640x128xf32, #tpu.memory_space<hbm>> -> memref<640x128xf32, #tpu.memory_space<hbm>>
      %dma_wait3A_51 = arith.constant 0 : i32
      %dma_wait3A_52 = tpu.memref_slice %arg12[%mul3A_40, %dma_wait3A_51] : memref<10240x128xf32, #tpu.memory_space<vmem_shared>> -> memref<640x128xf32, #tpu.memory_space<vmem_shared>>
      tpu.wait_dma2 semaphore(%run_scoped3A : memref<!tpu.dma_semaphore, #tpu.memory_space<semaphore_mem>>) src(%dma_wait3A_52 : memref<640x128xf32, #tpu.memory_space<vmem_shared>>) dst(%dma_wait3A_50 : memref<640x128xf32, #tpu.memory_space<hbm>>)
      tpu.yield
    }) : () -> ()
    %mul3A_43 = arith.constant 10000 : i32
    %mul3A_44 = arith.muli %add3A, %mul3A_43 : i32
    "tpu.region"() ({
      %run_scoped3A = tpu.sem_alloc : memref<!tpu.dma_semaphore, #tpu.memory_space<semaphore_mem>>
      %dma_start3A = tpu.memref_slice %arg6[%mul3A_44] : memref<320000xf32, #tpu.memory_space<hbm>> -> memref<10000xf32, #tpu.memory_space<hbm>>
      %dma_start3A_45 = tpu.memref_slice %arg6[%mul3A_44] : memref<320000xf32, #tpu.memory_space<hbm>> -> memref<10000xf32, #tpu.memory_space<hbm>>
      tpu.enqueue_dma source(%arg11 : memref<10000xf32, #tpu.memory_space<vmem>>) target(%dma_start3A_45 : memref<10000xf32, #tpu.memory_space<hbm>>) target_semaphore(%run_scoped3A : memref<!tpu.dma_semaphore, #tpu.memory_space<semaphore_mem>>)
      %dma_wait3A = tpu.memref_slice %arg6[%mul3A_44] : memref<320000xf32, #tpu.memory_space<hbm>> -> memref<10000xf32, #tpu.memory_space<hbm>>
      %dma_wait3A_46 = tpu.memref_slice %arg6[%mul3A_44] : memref<320000xf32, #tpu.memory_space<hbm>> -> memref<10000xf32, #tpu.memory_space<hbm>>
      tpu.wait_dma2 semaphore(%run_scoped3A : memref<!tpu.dma_semaphore, #tpu.memory_space<semaphore_mem>>) src(%arg11 : memref<10000xf32, #tpu.memory_space<vmem>>) dst(%dma_wait3A_46 : memref<10000xf32, #tpu.memory_space<hbm>>)
      tpu.yield
    }) : () -> ()
    return
  }
}

module attributes {stable_mosaic.version = 14 : i64} {
  func.func @_tc_mix_body(%arg0: i32, %arg1: memref<1000x128xf32, #tpu.memory_space<vmem>>, %arg2: memref<1000x1xf32, #tpu.memory_space<vmem>>, %arg3: memref<128x128xf32, #tpu.memory_space<vmem>>, %arg4: memref<1x128xf32, #tpu.memory_space<vmem>>, %arg5: memref<128x128xf32, #tpu.memory_space<vmem>>, %arg6: memref<1x128xf32, #tpu.memory_space<vmem>>, %arg7: memref<1000x128xf32, #tpu.memory_space<vmem>>) attributes {dimension_semantics = [#tpu.dimension_semantics<arbitrary>], iteration_bounds = array<i64: 10>, scalar_prefetch = 0 : i64, scratch_operands = 0 : i64, tpu.core_type = #tpu.core_type<tc>, window_params = [{transform_indices = @transform_0, window_bounds = array<i64: 1000, 128>}, {transform_indices = @transform_1, window_bounds = array<i64: 1000, 1>}, {pipeline_mode = #tpu.pipeline_mode<synchronous>, transform_indices = @transform_2, window_bounds = array<i64: 128, 128>}, {pipeline_mode = #tpu.pipeline_mode<synchronous>, transform_indices = @transform_3, window_bounds = array<i64: 1, 128>}, {pipeline_mode = #tpu.pipeline_mode<synchronous>, transform_indices = @transform_4, window_bounds = array<i64: 128, 128>}, {pipeline_mode = #tpu.pipeline_mode<synchronous>, transform_indices = @transform_5, window_bounds = array<i64: 1, 128>}, {transform_indices = @transform_6, window_bounds = array<i64: 1000, 128>}]} {
    %get3A = arith.constant 0 : index
    %get3A_0 = arith.constant 0 : index
    %get3A_1 = vector.load %arg1[%get3A, %get3A_0] : memref<1000x128xf32, #tpu.memory_space<vmem>>, vector<1000x128xf32>
    %get3A_2 = arith.constant 0 : index
    %get3A_3 = arith.constant 0 : index
    %get3A_4 = vector.load %arg5[%get3A_2, %get3A_3] : memref<128x128xf32, #tpu.memory_space<vmem>>, vector<128x128xf32>
    %dot_general3A = arith.constant dense<0.000000e+00> : vector<1000x128xf32>
    %dot_general3A_5 = tpu.matmul %get3A_1, %get3A_4, %dot_general3A {dimension_numbers = #tpu.dot_dimension_numbers<[1], [1], [0], [0], [0, 0, 1, 0], [], []>, transpose_lhs_hint = false} : vector<1000x128xf32>, vector<128x128xf32>, vector<1000x128xf32> -> vector<1000x128xf32>
    %get3A_6 = arith.constant 0 : index
    %get3A_7 = arith.constant 0 : index
    %get3A_8 = vector.load %arg6[%get3A_6, %get3A_7] : memref<1x128xf32, #tpu.memory_space<vmem>>, vector<1x128xf32>
    %add3A = vector.broadcast %get3A_8 : vector<1x128xf32> to vector<1000x128xf32>
    %add3A_9 = arith.addf %dot_general3A_5, %add3A : vector<1000x128xf32>
    %max3A = arith.constant 0.000000e+00 : f32
    %max3A_10 = vector.broadcast %max3A : f32 to vector<1000x128xf32>
    %max3A_11 = arith.maximumf %add3A_9, %max3A_10 : vector<1000x128xf32>
    %get3A_12 = arith.constant 0 : index
    %get3A_13 = arith.constant 0 : index
    %get3A_14 = vector.load %arg3[%get3A_12, %get3A_13] : memref<128x128xf32, #tpu.memory_space<vmem>>, vector<128x128xf32>
    %dot_general3A_15 = arith.constant dense<0.000000e+00> : vector<1000x128xf32>
    %dot_general3A_16 = tpu.matmul %get3A_1, %get3A_14, %dot_general3A_15 {dimension_numbers = #tpu.dot_dimension_numbers<[1], [1], [0], [0], [0, 0, 1, 0], [], []>, transpose_lhs_hint = false} : vector<1000x128xf32>, vector<128x128xf32>, vector<1000x128xf32> -> vector<1000x128xf32>
    %get3A_17 = arith.constant 0 : index
    %get3A_18 = arith.constant 0 : index
    %get3A_19 = vector.load %arg4[%get3A_17, %get3A_18] : memref<1x128xf32, #tpu.memory_space<vmem>>, vector<1x128xf32>
    %add3A_20 = vector.broadcast %get3A_19 : vector<1x128xf32> to vector<1000x128xf32>
    %add3A_21 = arith.addf %dot_general3A_16, %add3A_20 : vector<1000x128xf32>
    %max3A_22 = arith.constant 0.000000e+00 : f32
    %max3A_23 = vector.broadcast %max3A_22 : f32 to vector<1000x128xf32>
    %max3A_24 = arith.maximumf %add3A_21, %max3A_23 : vector<1000x128xf32>
    %get3A_25 = arith.constant 0 : index
    %get3A_26 = arith.constant 0 : index
    %get3A_27 = vector.load %arg2[%get3A_25, %get3A_26] : memref<1000x1xf32, #tpu.memory_space<vmem>>, vector<1000x1xf32>
    %sub3A = arith.subf %max3A_11, %max3A_24 : vector<1000x128xf32>
    %mul3A = vector.broadcast %get3A_27 : vector<1000x1xf32> to vector<1000x128xf32>
    %mul3A_28 = arith.mulf %mul3A, %sub3A : vector<1000x128xf32>
    %add3A_29 = arith.addf %max3A_24, %mul3A_28 : vector<1000x128xf32>
    %add3A_30 = arith.addf %max3A_24, %max3A_11 : vector<1000x128xf32>
    %mul3A_31 = arith.constant 2.000000e-01 : f32
    %mul3A_32 = vector.broadcast %mul3A_31 : f32 to vector<1000x128xf32>
    %mul3A_33 = arith.mulf %mul3A_32, %add3A_30 : vector<1000x128xf32>
    %mul3A_34 = arith.constant 6.000000e-01 : f32
    %mul3A_35 = vector.broadcast %mul3A_34 : f32 to vector<1000x128xf32>
    %mul3A_36 = arith.mulf %mul3A_35, %add3A_29 : vector<1000x128xf32>
    %add3A_37 = arith.addf %mul3A_33, %mul3A_36 : vector<1000x128xf32>
    %swap3A = arith.constant 0 : index
    %swap3A_38 = arith.constant 0 : index
    %swap3A_39 = vector.load %arg7[%swap3A, %swap3A_38] : memref<1000x128xf32, #tpu.memory_space<vmem>>, vector<1000x128xf32>
    tpu.vector_store %arg7[%swap3A, %swap3A_38], %add3A_37 {strides = array<i32>} : memref<1000x128xf32, #tpu.memory_space<vmem>>, vector<1000x128xf32>,
    return
  }
  func.func @transform_0(%arg0: i32) -> (i32, i32) {
    %c0_i32 = arith.constant 0 : i32
    %c0_i32_0 = arith.constant 0 : i32
    return %arg0, %c0_i32 : i32, i32
  }
  func.func @transform_1(%arg0: i32) -> (i32, i32) {
    %c0_i32 = arith.constant 0 : i32
    %c0_i32_0 = arith.constant 0 : i32
    return %arg0, %c0_i32 : i32, i32
  }
  func.func @transform_2(%arg0: i32) -> (i32, i32) {
    %c0_i32 = arith.constant 0 : i32
    %c0_i32_0 = arith.constant 0 : i32
    %c0_i32_1 = arith.constant 0 : i32
    return %c0_i32, %c0_i32_0 : i32, i32
  }
  func.func @transform_3(%arg0: i32) -> (i32, i32) {
    %c0_i32 = arith.constant 0 : i32
    %c0_i32_0 = arith.constant 0 : i32
    %c0_i32_1 = arith.constant 0 : i32
    return %c0_i32, %c0_i32_0 : i32, i32
  }
  func.func @transform_4(%arg0: i32) -> (i32, i32) {
    %c0_i32 = arith.constant 0 : i32
    %c0_i32_0 = arith.constant 0 : i32
    %c0_i32_1 = arith.constant 0 : i32
    return %c0_i32, %c0_i32_0 : i32, i32
  }
  func.func @transform_5(%arg0: i32) -> (i32, i32) {
    %c0_i32 = arith.constant 0 : i32
    %c0_i32_0 = arith.constant 0 : i32
    %c0_i32_1 = arith.constant 0 : i32
    return %c0_i32, %c0_i32_0 : i32, i32
  }
  func.func @transform_6(%arg0: i32) -> (i32, i32) {
    %c0_i32 = arith.constant 0 : i32
    %c0_i32_0 = arith.constant 0 : i32
    return %arg0, %c0_i32 : i32, i32
  }
}

module attributes {stable_mosaic.version = 14 : i64} {
  func.func @_tc_stats_body(%arg0: i32, %arg1: memref<2x1000x128xf32, #tpu.memory_space<vmem>>, %arg2: memref<1000x32xf32, #tpu.memory_space<vmem>>, %arg3: memref<1000x128xf32, #tpu.memory_space<vmem>>, %arg4: memref<2x128xf32, #tpu.memory_space<vmem>>) attributes {dimension_semantics = [#tpu.dimension_semantics<arbitrary>], iteration_bounds = array<i64: 10>, scalar_prefetch = 0 : i64, scratch_operands = 0 : i64, tpu.core_type = #tpu.core_type<tc>, window_params = [{transform_indices = @transform_0, window_bounds = array<i64: 2, 1000, 128>}, {transform_indices = @transform_1, window_bounds = array<i64: 1000, 32>}, {transform_indices = @transform_2, window_bounds = array<i64: 1000, 128>}, {pipeline_mode = #tpu.pipeline_mode<synchronous>, transform_indices = @transform_3, window_bounds = array<i64: 2, 128>}]} {
    %get3A = arith.constant 0 : index
    %get3A_0 = arith.constant 0 : index
    %get3A_1 = vector.load %arg2[%get3A, %get3A_0] : memref<1000x32xf32, #tpu.memory_space<vmem>>, vector<1000x32xf32>
    %reduce_sum3A = arith.constant dense<0.000000e+00> : vector<1000xf32>
    %reduce_sum3A_2 = vector.multi_reduction <add>, %get3A_1, %reduce_sum3A [1] : vector<1000x32xf32> to vector<1000xf32>
    %lt3A = arith.constant 5.000000e-01 : f32
    %lt3A_3 = vector.broadcast %lt3A : f32 to vector<1000xf32>
    %lt3A_4 = arith.cmpf olt, %reduce_sum3A_2, %lt3A_3 : vector<1000xf32>
    %add3A = arith.constant 1.000000e+00 : f32
    %add3A_5 = vector.broadcast %add3A : f32 to vector<1000xf32>
    %add3A_6 = arith.addf %reduce_sum3A_2, %add3A_5 : vector<1000xf32>
    %select_n3A = arith.select %lt3A_4, %add3A_6, %reduce_sum3A_2 : vector<1000xi1>, vector<1000xf32>
    %get3A_7 = arith.constant 0 : index
    %get3A_8 = arith.constant 0 : index
    %get3A_9 = arith.constant 0 : index
    %get3A_10 = vector.load %arg1[%get3A_7, %get3A_8, %get3A_9] : memref<2x1000x128xf32, #tpu.memory_space<vmem>>, vector<1x1000x128xf32>
    %get3A_11 = vector.shape_cast %get3A_10 : vector<1x1000x128xf32> to vector<1000x128xf32>
    %get3A_12 = arith.constant 1 : index
    %get3A_13 = arith.constant 0 : index
    %get3A_14 = arith.constant 0 : index
    %get3A_15 = vector.load %arg1[%get3A_12, %get3A_13, %get3A_14] : memref<2x1000x128xf32, #tpu.memory_space<vmem>>, vector<1x1000x128xf32>
    %get3A_16 = vector.shape_cast %get3A_15 : vector<1x1000x128xf32> to vector<1000x128xf32>
    %add3A_17 = arith.addf %get3A_11, %get3A_16 : vector<1000x128xf32>
    %div3A = arith.constant 1.000000e+00 : f32
    %div3A_18 = vector.broadcast %div3A : f32 to vector<1000xf32>
    %div3A_19 = arith.divf %div3A_18, %select_n3A : vector<1000xf32>
    %broadcast_in_dim3A = vector.shape_cast %div3A_19 : vector<1000xf32> to vector<1000x1xf32>
    %mul3A = vector.broadcast %broadcast_in_dim3A : vector<1000x1xf32> to vector<1000x128xf32>
    %mul3A_20 = arith.mulf %add3A_17, %mul3A : vector<1000x128xf32>
    %swap3A = arith.constant 0 : index
    %swap3A_21 = arith.constant 0 : index
    %swap3A_22 = vector.load %arg3[%swap3A, %swap3A_21] : memref<1000x128xf32, #tpu.memory_space<vmem>>, vector<1000x128xf32>
    tpu.vector_store %arg3[%swap3A, %swap3A_21], %mul3A_20 {strides = array<i32>} : memref<1000x128xf32, #tpu.memory_space<vmem>>, vector<1000x128xf32>,
    %reduce_sum3A_23 = arith.constant dense<0.000000e+00> : vector<128xf32>
    %reduce_sum3A_24 = vector.multi_reduction <add>, %mul3A_20, %reduce_sum3A_23 [0] : vector<1000x128xf32> to vector<128xf32>
    %broadcast_in_dim3A_25 = vector.shape_cast %reduce_sum3A_24 : vector<128xf32> to vector<1x128xf32>
    %mul3A_26 = arith.mulf %mul3A_20, %mul3A_20 : vector<1000x128xf32>
    %reduce_sum3A_27 = arith.constant dense<0.000000e+00> : vector<128xf32>
    %reduce_sum3A_28 = vector.multi_reduction <add>, %mul3A_26, %reduce_sum3A_27 [0] : vector<1000x128xf32> to vector<128xf32>
    %broadcast_in_dim3A_29 = vector.shape_cast %reduce_sum3A_28 : vector<128xf32> to vector<1x128xf32>
    %concatenate3A = tpu.concatenate %broadcast_in_dim3A_25, %broadcast_in_dim3A_29 in 0 : vector<1x128xf32>, vector<1x128xf32> -> vector<2x128xf32>
    %eq3A = arith.constant 0 : i32
    %eq3A_30 = arith.cmpi eq, %arg0, %eq3A : i32
    %convert_element_type3A = arith.extui %eq3A_30 : i1 to i32
    %cond3A = arith.constant 0 : i32
    %cond3A_31 = arith.cmpi ne, %convert_element_type3A, %cond3A : i32
    scf.if %cond3A_31 {
      %swap3A_36 = arith.constant 0 : index
      %swap3A_37 = arith.constant 0 : index
      %swap3A_38 = vector.load %arg4[%swap3A_36, %swap3A_37] : memref<2x128xf32, #tpu.memory_space<vmem>>, vector<2x128xf32>
      tpu.vector_store %arg4[%swap3A_36, %swap3A_37], %concatenate3A {strides = array<i32>} : memref<2x128xf32, #tpu.memory_space<vmem>>, vector<2x128xf32>,
    } else {
    }
    %gt3A = arith.constant 0 : i32
    %gt3A_32 = arith.cmpi sgt, %arg0, %gt3A : i32
    %convert_element_type3A_33 = arith.extui %gt3A_32 : i1 to i32
    %cond3A_34 = arith.constant 0 : i32
    %cond3A_35 = arith.cmpi ne, %convert_element_type3A_33, %cond3A_34 : i32
    scf.if %cond3A_35 {
      %get3A_36 = arith.constant 0 : index
      %get3A_37 = arith.constant 0 : index
      %get3A_38 = vector.load %arg4[%get3A_36, %get3A_37] : memref<2x128xf32, #tpu.memory_space<vmem>>, vector<2x128xf32>
      %add3A_39 = arith.addf %get3A_38, %concatenate3A : vector<2x128xf32>
      %swap3A_40 = arith.constant 0 : index
      %swap3A_41 = arith.constant 0 : index
      %swap3A_42 = vector.load %arg4[%swap3A_40, %swap3A_41] : memref<2x128xf32, #tpu.memory_space<vmem>>, vector<2x128xf32>
      tpu.vector_store %arg4[%swap3A_40, %swap3A_41], %add3A_39 {strides = array<i32>} : memref<2x128xf32, #tpu.memory_space<vmem>>, vector<2x128xf32>,
    } else {
    }
    return
  }
  func.func @transform_0(%arg0: i32) -> (i32, i32, i32) {
    %c0_i32 = arith.constant 0 : i32
    %c0_i32_0 = arith.constant 0 : i32
    %c0_i32_1 = arith.constant 0 : i32
    return %c0_i32, %arg0, %c0_i32_0 : i32, i32, i32
  }
  func.func @transform_1(%arg0: i32) -> (i32, i32) {
    %c0_i32 = arith.constant 0 : i32
    %c0_i32_0 = arith.constant 0 : i32
    return %arg0, %c0_i32 : i32, i32
  }
  func.func @transform_2(%arg0: i32) -> (i32, i32) {
    %c0_i32 = arith.constant 0 : i32
    %c0_i32_0 = arith.constant 0 : i32
    return %arg0, %c0_i32 : i32, i32
  }
  func.func @transform_3(%arg0: i32) -> (i32, i32) {
    %c0_i32 = arith.constant 0 : i32
    %c0_i32_0 = arith.constant 0 : i32
    %c0_i32_1 = arith.constant 0 : i32
    return %c0_i32, %c0_i32_0 : i32, i32
  }
}

module attributes {stable_mosaic.version = 14 : i64} {
  func.func @_tc_final_body(%arg0: i32, %arg1: memref<1000x128xf32, #tpu.memory_space<vmem>>, %arg2: memref<2x128xf32, #tpu.memory_space<vmem>>, %arg3: memref<1000x128xf32, #tpu.memory_space<vmem>>, %arg4: memref<1000x1xf32, #tpu.memory_space<vmem>>, %arg5: memref<128x128xf32, #tpu.memory_space<vmem>>, %arg6: memref<128x128xf32, #tpu.memory_space<vmem>>, %arg7: memref<1x128xf32, #tpu.memory_space<vmem>>, %arg8: memref<128x128xf32, #tpu.memory_space<vmem>>, %arg9: memref<128x128xf32, #tpu.memory_space<vmem>>, %arg10: memref<1x128xf32, #tpu.memory_space<vmem>>, %arg11: memref<1x128xf32, #tpu.memory_space<vmem>>, %arg12: memref<1x128xf32, #tpu.memory_space<vmem>>, %arg13: memref<1x128xf32, #tpu.memory_space<vmem>>, %arg14: memref<1000x128xf32, #tpu.memory_space<vmem>>) attributes {dimension_semantics = [#tpu.dimension_semantics<arbitrary>], iteration_bounds = array<i64: 10>, scalar_prefetch = 0 : i64, scratch_operands = 0 : i64, tpu.core_type = #tpu.core_type<tc>, window_params = [{transform_indices = @transform_0, window_bounds = array<i64: 1000, 128>}, {pipeline_mode = #tpu.pipeline_mode<synchronous>, transform_indices = @transform_1, window_bounds = array<i64: 2, 128>}, {transform_indices = @transform_2, window_bounds = array<i64: 1000, 128>}, {transform_indices = @transform_3, window_bounds = array<i64: 1000, 1>}, {pipeline_mode = #tpu.pipeline_mode<synchronous>, transform_indices = @transform_4, window_bounds = array<i64: 128, 128>}, {pipeline_mode = #tpu.pipeline_mode<synchronous>, transform_indices = @transform_5, window_bounds = array<i64: 128, 128>}, {pipeline_mode = #tpu.pipeline_mode<synchronous>, transform_indices = @transform_6, window_bounds = array<i64: 1, 128>}, {pipeline_mode = #tpu.pipeline_mode<synchronous>, transform_indices = @transform_7, window_bounds = array<i64: 128, 128>}, {pipeline_mode = #tpu.pipeline_mode<synchronous>, transform_indices = @transform_8, window_bounds = array<i64: 128, 128>}, {pipeline_mode = #tpu.pipeline_mode<synchronous>, transform_indices = @transform_9, window_bounds = array<i64: 1, 128>}, {pipeline_mode = #tpu.pipeline_mode<synchronous>, transform_indices = @transform_10, window_bounds = array<i64: 1, 128>}, {pipeline_mode = #tpu.pipeline_mode<synchronous>, transform_indices = @transform_11, window_bounds = array<i64: 1, 128>}, {pipeline_mode = #tpu.pipeline_mode<synchronous>, transform_indices = @transform_12, window_bounds = array<i64: 1, 128>}, {transform_indices = @transform_13, window_bounds = array<i64: 1000, 128>}]} {
    %get3A = arith.constant 0 : index
    %get3A_0 = arith.constant 0 : index
    %get3A_1 = vector.load %arg13[%get3A, %get3A_0] : memref<1x128xf32, #tpu.memory_space<vmem>>, vector<1x128xf32>
    %get3A_2 = arith.constant 0 : index
    %get3A_3 = arith.constant 0 : index
    %get3A_4 = vector.load %arg2[%get3A_2, %get3A_3] : memref<2x128xf32, #tpu.memory_space<vmem>>, vector<1x128xf32>
    %get3A_5 = arith.constant 1 : index
    %get3A_6 = arith.constant 0 : index
    %get3A_7 = vector.load %arg2[%get3A_5, %get3A_6] : memref<2x128xf32, #tpu.memory_space<vmem>>, vector<1x128xf32>
    %mul3A = arith.constant 9.99999974E-5 : f32
    %mul3A_8 = vector.broadcast %mul3A : f32 to vector<1x128xf32>
    %mul3A_9 = arith.mulf %get3A_4, %mul3A_8 : vector<1x128xf32>
    %mul3A_10 = arith.constant 9.99999974E-5 : f32
    %mul3A_11 = vector.broadcast %mul3A_10 : f32 to vector<1x128xf32>
    %mul3A_12 = arith.mulf %get3A_7, %mul3A_11 : vector<1x128xf32>
    %mul3A_13 = arith.constant 2.000000e+00 : f32
    %mul3A_14 = vector.broadcast %mul3A_13 : f32 to vector<1x128xf32>
    %mul3A_15 = arith.mulf %mul3A_14, %get3A_1 : vector<1x128xf32>
    %mul3A_16 = arith.mulf %get3A_1, %get3A_1 : vector<1x128xf32>
    %sub3A = arith.subf %mul3A_15, %mul3A_16 : vector<1x128xf32>
    %mul3A_17 = arith.mulf %sub3A, %mul3A_9 : vector<1x128xf32>
    %mul3A_18 = arith.mulf %mul3A_17, %mul3A_9 : vector<1x128xf32>
    %sub3A_19 = arith.subf %mul3A_12, %mul3A_18 : vector<1x128xf32>
    %get3A_20 = arith.constant 0 : index
    %get3A_21 = arith.constant 0 : index
    %get3A_22 = vector.load %arg1[%get3A_20, %get3A_21] : memref<1000x128xf32, #tpu.memory_space<vmem>>, vector<1000x128xf32>
    %get3A_23 = arith.constant 0 : index
    %get3A_24 = arith.constant 0 : index
    %get3A_25 = vector.load %arg11[%get3A_23, %get3A_24] : memref<1x128xf32, #tpu.memory_space<vmem>>, vector<1x128xf32>
    %mul3A_26 = arith.mulf %get3A_1, %mul3A_9 : vector<1x128xf32>
    %sub3A_27 = vector.broadcast %mul3A_26 : vector<1x128xf32> to vector<1000x128xf32>
    %sub3A_28 = arith.subf %get3A_22, %sub3A_27 : vector<1000x128xf32>
    %mul3A_29 = vector.broadcast %get3A_25 : vector<1x128xf32> to vector<1000x128xf32>
    %mul3A_30 = arith.mulf %mul3A_29, %sub3A_28 : vector<1000x128xf32>
    %add3A = arith.constant 9.99999974E-6 : f32
    %add3A_31 = vector.broadcast %add3A : f32 to vector<1x128xf32>
    %add3A_32 = arith.addf %sub3A_19, %add3A_31 : vector<1x128xf32>
    %rsqrt3A = math.rsqrt %add3A_32 : vector<1x128xf32>
    %mul3A_33 = vector.broadcast %rsqrt3A : vector<1x128xf32> to vector<1000x128xf32>
    %mul3A_34 = arith.mulf %mul3A_30, %mul3A_33 : vector<1000x128xf32>
    %get3A_35 = arith.constant 0 : index
    %get3A_36 = arith.constant 0 : index
    %get3A_37 = vector.load %arg12[%get3A_35, %get3A_36] : memref<1x128xf32, #tpu.memory_space<vmem>>, vector<1x128xf32>
    %add3A_38 = vector.broadcast %get3A_37 : vector<1x128xf32> to vector<1000x128xf32>
    %add3A_39 = arith.addf %mul3A_34, %add3A_38 : vector<1000x128xf32>
    %get3A_40 = arith.constant 0 : index
    %get3A_41 = arith.constant 0 : index
    %get3A_42 = vector.load %arg3[%get3A_40, %get3A_41] : memref<1000x128xf32, #tpu.memory_space<vmem>>, vector<1000x128xf32>
    %get3A_43 = arith.constant 0 : index
    %get3A_44 = arith.constant 0 : index
    %get3A_45 = vector.load %arg5[%get3A_43, %get3A_44] : memref<128x128xf32, #tpu.memory_space<vmem>>, vector<128x128xf32>
    %dot_general3A = arith.constant dense<0.000000e+00> : vector<1000x128xf32>
    %dot_general3A_46 = tpu.matmul %add3A_39, %get3A_45, %dot_general3A {dimension_numbers = #tpu.dot_dimension_numbers<[1], [1], [0], [0], [0, 0, 1, 0], [], []>, transpose_lhs_hint = false} : vector<1000x128xf32>, vector<128x128xf32>, vector<1000x128xf32> -> vector<1000x128xf32>
    %get3A_47 = arith.constant 0 : index
    %get3A_48 = arith.constant 0 : index
    %get3A_49 = vector.load %arg6[%get3A_47, %get3A_48] : memref<128x128xf32, #tpu.memory_space<vmem>>, vector<128x128xf32>
    %dot_general3A_50 = arith.constant dense<0.000000e+00> : vector<1000x128xf32>
    %dot_general3A_51 = tpu.matmul %get3A_42, %get3A_49, %dot_general3A_50 {dimension_numbers = #tpu.dot_dimension_numbers<[1], [1], [0], [0], [0, 0, 1, 0], [], []>, transpose_lhs_hint = false} : vector<1000x128xf32>, vector<128x128xf32>, vector<1000x128xf32> -> vector<1000x128xf32>
    %add3A_52 = arith.addf %dot_general3A_46, %dot_general3A_51 : vector<1000x128xf32>
    %get3A_53 = arith.constant 0 : index
    %get3A_54 = arith.constant 0 : index
    %get3A_55 = vector.load %arg7[%get3A_53, %get3A_54] : memref<1x128xf32, #tpu.memory_space<vmem>>, vector<1x128xf32>
    %add3A_56 = vector.broadcast %get3A_55 : vector<1x128xf32> to vector<1000x128xf32>
    %add3A_57 = arith.addf %add3A_52, %add3A_56 : vector<1000x128xf32>
    %get3A_58 = arith.constant 0 : index
    %get3A_59 = arith.constant 0 : index
    %get3A_60 = vector.load %arg8[%get3A_58, %get3A_59] : memref<128x128xf32, #tpu.memory_space<vmem>>, vector<128x128xf32>
    %dot_general3A_61 = arith.constant dense<0.000000e+00> : vector<1000x128xf32>
    %dot_general3A_62 = tpu.matmul %add3A_39, %get3A_60, %dot_general3A_61 {dimension_numbers = #tpu.dot_dimension_numbers<[1], [1], [0], [0], [0, 0, 1, 0], [], []>, transpose_lhs_hint = false} : vector<1000x128xf32>, vector<128x128xf32>, vector<1000x128xf32> -> vector<1000x128xf32>
    %get3A_63 = arith.constant 0 : index
    %get3A_64 = arith.constant 0 : index
    %get3A_65 = vector.load %arg9[%get3A_63, %get3A_64] : memref<128x128xf32, #tpu.memory_space<vmem>>, vector<128x128xf32>
    %dot_general3A_66 = arith.constant dense<0.000000e+00> : vector<1000x128xf32>
    %dot_general3A_67 = tpu.matmul %get3A_42, %get3A_65, %dot_general3A_66 {dimension_numbers = #tpu.dot_dimension_numbers<[1], [1], [0], [0], [0, 0, 1, 0], [], []>, transpose_lhs_hint = false} : vector<1000x128xf32>, vector<128x128xf32>, vector<1000x128xf32> -> vector<1000x128xf32>
    %add3A_68 = arith.addf %dot_general3A_62, %dot_general3A_67 : vector<1000x128xf32>
    %get3A_69 = arith.constant 0 : index
    %get3A_70 = arith.constant 0 : index
    %get3A_71 = vector.load %arg10[%get3A_69, %get3A_70] : memref<1x128xf32, #tpu.memory_space<vmem>>, vector<1x128xf32>
    %add3A_72 = vector.broadcast %get3A_71 : vector<1x128xf32> to vector<1000x128xf32>
    %add3A_73 = arith.addf %add3A_68, %add3A_72 : vector<1000x128xf32>
    %get3A_74 = arith.constant 0 : index
    %get3A_75 = arith.constant 0 : index
    %get3A_76 = vector.load %arg4[%get3A_74, %get3A_75] : memref<1000x1xf32, #tpu.memory_space<vmem>>, vector<1000x1xf32>
    %sub3A_77 = arith.subf %add3A_57, %add3A_73 : vector<1000x128xf32>
    %mul3A_78 = vector.broadcast %get3A_76 : vector<1000x1xf32> to vector<1000x128xf32>
    %mul3A_79 = arith.mulf %mul3A_78, %sub3A_77 : vector<1000x128xf32>
    %add3A_80 = arith.addf %add3A_73, %mul3A_79 : vector<1000x128xf32>
    %add3A_81 = arith.addf %add3A_73, %add3A_57 : vector<1000x128xf32>
    %mul3A_82 = arith.constant 2.000000e-01 : f32
    %mul3A_83 = vector.broadcast %mul3A_82 : f32 to vector<1000x128xf32>
    %mul3A_84 = arith.mulf %mul3A_83, %add3A_81 : vector<1000x128xf32>
    %mul3A_85 = arith.constant 6.000000e-01 : f32
    %mul3A_86 = vector.broadcast %mul3A_85 : f32 to vector<1000x128xf32>
    %mul3A_87 = arith.mulf %mul3A_86, %add3A_80 : vector<1000x128xf32>
    %add3A_88 = arith.addf %mul3A_84, %mul3A_87 : vector<1000x128xf32>
    %swap3A = arith.constant 0 : index
    %swap3A_89 = arith.constant 0 : index
    %swap3A_90 = vector.load %arg14[%swap3A, %swap3A_89] : memref<1000x128xf32, #tpu.memory_space<vmem>>, vector<1000x128xf32>
    tpu.vector_store %arg14[%swap3A, %swap3A_89], %add3A_88 {strides = array<i32>} : memref<1000x128xf32, #tpu.memory_space<vmem>>, vector<1000x128xf32>,
    return
  }
  func.func @transform_0(%arg0: i32) -> (i32, i32) {
    %c0_i32 = arith.constant 0 : i32
    %c0_i32_0 = arith.constant 0 : i32
    return %arg0, %c0_i32 : i32, i32
  }
  func.func @transform_1(%arg0: i32) -> (i32, i32) {
    %c0_i32 = arith.constant 0 : i32
    %c0_i32_0 = arith.constant 0 : i32
    %c0_i32_1 = arith.constant 0 : i32
    return %c0_i32, %c0_i32_0 : i32, i32
  }
  func.func @transform_2(%arg0: i32) -> (i32, i32) {
    %c0_i32 = arith.constant 0 : i32
    %c0_i32_0 = arith.constant 0 : i32
    return %arg0, %c0_i32 : i32, i32
  }
  func.func @transform_3(%arg0: i32) -> (i32, i32) {
    %c0_i32 = arith.constant 0 : i32
    %c0_i32_0 = arith.constant 0 : i32
    return %arg0, %c0_i32 : i32, i32
  }
  func.func @transform_4(%arg0: i32) -> (i32, i32) {
    %c0_i32 = arith.constant 0 : i32
    %c0_i32_0 = arith.constant 0 : i32
    %c0_i32_1 = arith.constant 0 : i32
    return %c0_i32, %c0_i32_0 : i32, i32
  }
  func.func @transform_5(%arg0: i32) -> (i32, i32) {
    %c0_i32 = arith.constant 0 : i32
    %c0_i32_0 = arith.constant 0 : i32
    %c0_i32_1 = arith.constant 0 : i32
    return %c0_i32, %c0_i32_0 : i32, i32
  }
  func.func @transform_6(%arg0: i32) -> (i32, i32) {
    %c0_i32 = arith.constant 0 : i32
    %c0_i32_0 = arith.constant 0 : i32
    %c0_i32_1 = arith.constant 0 : i32
    return %c0_i32, %c0_i32_0 : i32, i32
  }
  func.func @transform_7(%arg0: i32) -> (i32, i32) {
    %c0_i32 = arith.constant 0 : i32
    %c0_i32_0 = arith.constant 0 : i32
    %c0_i32_1 = arith.constant 0 : i32
    return %c0_i32, %c0_i32_0 : i32, i32
  }
  func.func @transform_8(%arg0: i32) -> (i32, i32) {
    %c0_i32 = arith.constant 0 : i32
    %c0_i32_0 = arith.constant 0 : i32
    %c0_i32_1 = arith.constant 0 : i32
    return %c0_i32, %c0_i32_0 : i32, i32
  }
  func.func @transform_9(%arg0: i32) -> (i32, i32) {
    %c0_i32 = arith.constant 0 : i32
    %c0_i32_0 = arith.constant 0 : i32
    %c0_i32_1 = arith.constant 0 : i32
    return %c0_i32, %c0_i32_0 : i32, i32
  }
  func.func @transform_10(%arg0: i32) -> (i32, i32) {
    %c0_i32 = arith.constant 0 : i32
    %c0_i32_0 = arith.constant 0 : i32
    %c0_i32_1 = arith.constant 0 : i32
    return %c0_i32, %c0_i32_0 : i32, i32
  }
  func.func @transform_11(%arg0: i32) -> (i32, i32) {
    %c0_i32 = arith.constant 0 : i32
    %c0_i32_0 = arith.constant 0 : i32
    %c0_i32_1 = arith.constant 0 : i32
    return %c0_i32, %c0_i32_0 : i32, i32
  }
  func.func @transform_12(%arg0: i32) -> (i32, i32) {
    %c0_i32 = arith.constant 0 : i32
    %c0_i32_0 = arith.constant 0 : i32
    %c0_i32_1 = arith.constant 0 : i32
    return %c0_i32, %c0_i32_0 : i32, i32
  }
  func.func @transform_13(%arg0: i32) -> (i32, i32) {
    %c0_i32 = arith.constant 0 : i32
    %c0_i32_0 = arith.constant 0 : i32
    return %arg0, %c0_i32 : i32, i32
  }
}

</mosaic_0001>

<sc_bundles>
// kernel: kernel.6.cloned.1.call-start
scs
__scs_entry_jumppad:
0x0: {  	(pc) =	sbr.rel $0x88, $3  }
0x1: {  	(tag) =	ssettag $0x0;
	lr =	simm.s32 $0x1  }
0x2: {  	[smem:$0x3F92] =	sst lr;
	_ =	strace $0xD0000000  }
0x3: {  	_ = 	snop  }
0x4: {  	_ = 	snop  }
0x5: {  	_ = 	snop  }
0x6: {  	_ = 	snop  }
0x7: {  	_ = 	snop  }
__scs_overlays_trampoline_lowered:
0x8: {  	[smem:$0x3FA1] =	sst s0  }
0x9: {  	[smem:$0x3FA2] =	sst s1  }
0xa: {  	[smem:$0x3FA3] =	sst s2  }
0xb: {  	[smem:$0x3FA4] =	sst s3  }
0xc: {  	[smem:$0x3FA5] =	sst s4  }
0xd: {  	[smem:$0x3FA6] =	sst s5  }
0xe: {  	[smem:$0x3FA7] =	sst s6  }
0xf: {  	[smem:$0x3FA8] =	sst s7  }
0x10: {  	[smem:$0x3FA9] =	sst s8  }
0x11: {  	[smem:$0x3FAA] =	sst s9;
	s0 =	simm.s32 @!p0 $0x0  }
0x12: {  	s1 =	sld [smem:$0x3F90];
	s0 =	simm.s32 @p0 $0x1  }
0x13: {  	[smem:$0x3FAB] =	sst s0;
	s0 =	simm.s32 @!p1 $0x0  }
0x14: {  	s2 =	sld [smem:$0x3F8F];
	s0 =	simm.s32 @p1 $0x1  }
0x15: {  	[smem:$0x3FAC] =	sst s0;
	s0 =	simm.s32 @!p2 $0x0  }
0x16: {  	s3 =	sld [smem:$0x3FDB];
	s0 =	simm.s32 @p2 $0x1  }
0x17: {  	s4 =	simm.s32 $0x1BF5;
	[smem:$0x3FAE] =	sst s0  }
0x18: {  	s0 =	sld [smem:$0x3F91];
	_ =	swait.ge [sflag:s4], $0x0  }
0x19: {  	s7 =	sld [smem:$0x3F92]  }
0x1a: {  	s8 =	sadd.s32 $0xFFFFE003, lr  }
0x1b: {  	s9 =	sadd.s32 $0xFFFFFEF7, lr;
	s5 =	simm.s32 $0xFFFFFFFF;
	p2 =	slt.u32 s8, $0xFFFFF086  }
0x1c: {  	p1 =	slt.u32 s9, $0xF7A;
	s5 =	simm.s32 @!p2 $0x0  }
0x1d: {  	s5 =	simm.s32 @p1 $0x1;
	p0 =	seq.s32 s7, s2  }
0x1e: {  	s7 =	smul.u32 @!p0 $0xF7A, s2;
	p2 =	seq.s32 @!p0 s5, $0x0  }
0x1f: {  	s9 =	smul.u32 $0xF7A, s1;
	s8 =	simm.s32 @!p0 $0x1BF5;
	p2 =	por !p2, p0  }
0x20: {  	[sflag:s8] =	ssyncset.s32 @!p0 $0xFFFFF086;
	s6 =	sadd.s32 @!p0 s3, s7;
	s7 =	simm.s32 @!p0 $0x108  }
0x21: {  	s3 =	sadd.s32 s3, s9;
	s6 =	sadd.s32 @!p0 $0x88, s6;
	s7 =	simm.s32 @p2 $0x1082  }
0x22: {  	[simem:s7], [sflag:s8] =	dma.local @!p0 [hbm:s6], $0xF7A  }
0x23: {  	s9 =	sor.u32 $0xD0000000, s2;
	s6 =	simm.s32 $0x108;
	_ =	swait.ge @!p0 [sflag:s8], $0x0  }
0x24: {  	s3 =	sadd.s32 $0x88, s3;
	s6 =	simm.s32 @!p1 $0x1082;
	[sflag:s4] =	ssyncset.s32 $0xFFFFF086  }
0x25: {  	[simem:s6], [sflag:s4] =	dma.local [hbm:s3], $0xF7A  }
0x26: {  	[smem:$0x3F92] =	sst s1;
	(tag) =	ssettag s2;
	_ =	strace s9  }
0x27: {  	s1 =	sld [smem:$0x3FA2]  }
0x28: {  	s2 =	sld [smem:$0x3FA3]  }
0x29: {  	s4 =	sld [smem:$0x3FA5]  }
0x2a: {  	p0 =	seq.s32 s5, $0x0;
	s5 =	sld [smem:$0x3FA6]  }
0x2b: {  	s6 =	sld [smem:$0x3FA7]  }
0x2c: {  	s7 =	sld [smem:$0x3FA8]  }
0x2d: {  	s3 =	simm.s32 $0x108;
	s8 =	sld [smem:$0x3FA9]  }
0x2e: {  	s3 =	simm.s32 @!p0 $0x1082;
	s9 =	sld [smem:$0x3FAA]  }
0x2f: {  	lr =	sadd.s32 s0, s3;
	s0 =	sld [smem:$0x3FA1]  }
0x30: {  	s3 =	sld [smem:$0x3FA4]  }
0x31: {  	[smem:$0x3FAD] =	sst s10  }
0x32: {  	s10 =	sld [smem:$0x3FAB];
	_ =	sdelay $0x3  }
0x33: {  	p0 =	seq.s32 s10, $0x1;
	s10 =	sld [smem:$0x3FAD];
	_ =	sdelay $0x3  }
0x34: {  	[smem:$0x3FAD] =	sst s10  }
0x35: {  	s10 =	sld [smem:$0x3FAC];
	_ =	sdelay $0x3  }
0x36: {  	p1 =	seq.s32 s10, $0x1;
	s10 =	sld [smem:$0x3FAD];
	_ =	sdelay $0x3  }
0x37: {  	[smem:$0x3FAD] =	sst s10  }
0x38: {  	s10 =	sld [smem:$0x3FAE]  }
0x39: {  	_ = 	snop;
	(pc) =	sbr.ind lr, $3  }
0x3a: {  	_ = 	snop  }
0x3b: {  	_ = 	snop  }
0x3c: {  	p2 =	seq.s32 s10, $0x1;
	s10 =	sld [smem:$0x3FAD]  }
0x3d: {  	_ =	shalt  }
0x3e: {  	_ =	shalt  }
0x3f: {  	_ =	shalt  }
0x40: {  	_ =	shalt  }
0x41: {  	_ =	shalt  }
0x42: {  	_ =	shalt  }
0x43: {  	_ =	shalt  }
0x44: {  	_ =	shalt  }
0x45: {  	_ =	shalt  }
0x46: {  	_ =	shalt  }
0x47: {  	_ =	shalt  }
0x48: {  	_ =	shalt  }
0x49: {  	_ =	shalt  }
0x4a: {  	_ =	shalt  }
0x4b: {  	_ =	shalt  }
0x4c: {  	_ =	shalt  }
0x4d: {  	_ =	shalt  }
0x4e: {  	_ =	shalt  }
0x4f: {  	_ =	shalt  }
0x50: {  	_ =	shalt  }
0x51: {  	_ =	shalt  }
0x52: {  	_ =	shalt  }
0x53: {  	_ =	shalt  }
0x54: {  	_ =	shalt  }
0x55: {  	_ =	shalt  }
0x56: {  	_ =	shalt  }
0x57: {  	_ =	shalt  }
0x58: {  	_ =	shalt  }
0x59: {  	_ =	shalt  }
0x5a: {  	_ =	shalt  }
0x5b: {  	_ =	shalt  }
0x5c: {  	_ =	shalt  }
0x5d: {  	_ =	shalt  }
0x5e: {  	_ =	shalt  }
0x5f: {  	_ =	shalt  }
0x60: {  	_ =	shalt  }
0x61: {  	_ =	shalt  }
0x62: {  	_ =	shalt  }
0x63: {  	_ =	shalt  }
0x64: {  	_ =	shalt  }
0x65: {  	_ =	shalt  }
0x66: {  	_ =	shalt  }
0x67: {  	_ =	shalt  }
0x68: {  	_ =	shalt  }
0x69: {  	_ =	shalt  }
0x6a: {  	_ =	shalt  }
0x6b: {  	_ =	shalt  }
0x6c: {  	_ =	shalt  }
0x6d: {  	_ =	shalt  }
0x6e: {  	_ =	shalt  }
0x6f: {  	_ =	shalt  }
0x70: {  	_ =	shalt  }
0x71: {  	_ =	shalt  }
0x72: {  	_ =	shalt  }
0x73: {  	_ =	shalt  }
0x74: {  	_ =	shalt  }
0x75: {  	_ =	shalt  }
0x76: {  	_ =	shalt  }
0x77: {  	_ =	shalt  }
0x78: {  	_ =	shalt  }
0x79: {  	_ =	shalt  }
0x7a: {  	_ =	shalt  }
0x7b: {  	_ =	shalt  }
0x7c: {  	_ =	shalt  }
0x7d: {  	_ =	shalt  }
0x7e: {  	_ =	shalt  }
0x7f: {  	_ =	shalt  }
0x80: {  	_ =	shalt  }
0x81: {  	_ =	shalt  }
0x82: {  	_ =	shalt  }
0x83: {  	_ =	shalt  }
0x84: {  	_ =	shalt  }
0x85: {  	_ =	shalt  }
0x86: {  	_ =	shalt  }
0x87: {  	_ =	shalt  }
.Lfunc_end0:
.L_simem_size_0:
called_computation_lowered:
.L_overlay_start_0:
0x88: {  	s2 =	sld [smem:$0x3FD9]  }
0x89: {  	s3 =	sld [smem:$0x3FFE];
	_ =	sdelay $0x1  }
0x8a: {  	s1 =	srdreg.scid  }
0x8b: {  	s0 =	sand.u32 $0x1, s1  }
0x8c: {  	s17 =	sshll.u32 s0, $0xA;
	s2 =	sadd.s32 s3, s2  }
0x8d: {  	s2 =	sadd.s32 s2, s17  }
0x8e: {  	[smem:$0x3FB9] =	sst s2  }
0x8f: {  	_ = 	snop  }
0x90: {  	s2 =	sld [smem:$0x3FD0];
	(tm) =	ssettm $0x1  }
0x91: {  	s18 =	sld [smem:$0x3FFB];
	_ =	sdelay $0x3  }
0x92: {  	_ =	strace s18  }
0x93: {  	s3 =	sld [smem:$0x3FFC];
	_ =	sdelay $0x3  }
0x94: {  	_ =	strace s3  }
0x95: {  	s3 =	sld [smem:$0x3FFD];
	_ =	sdelay $0x3  }
0x96: {  	_ =	strace s3  }
0x97: {  	_ =	strace $0x8FFFFFFF  }
0x98: {  	s19 =	sld [smem:$0x3FDB];
	_ =	sdelay $0x1  }
0x99: {  	s4 =	simm.s32 $_scs_section_size  }
0x9a: {  	s5 =	simm.s32 $_size__tile_overlayer_lowered;
	s6 =	simm.s32 $_tile_overlayer_lowered  }
0x9b: {  	s22 =	simm.s32 $0x1BFF;
	s21 =	sshll.u32 s6, $0x1;
	s3 =	sadd.s32 s4, s19  }
0x9c: {  	s7 =	simm.s32 $0x0;
	s20 =	sshll.u32 s5, $0x1;
	s5 =	sadd.s32 s21, s3  }
0x9d: {  	[timem:s7], [sflag:s22] =	dma.local [hbm:s5], s20  }
0x9e: {  	_ =	swait.ge [sflag:s22], s20  }
0x9f: {  	s4 =	ssub.s32 $0x0, s20;
	[sflag:s22] =	ssyncset.done $0x0  }
0xa0: {  	[sflag:s22] =	ssyncadd.s32 s4;
	_ =	sdelay $0x1  }
0xa1: {  	s23 =	simm.s32 $0x1B8B  }
0xa2: {  	_ =	swait.ge [sflag:s23], $0x1  }
0xa3: {  	[sflag:s23] =	ssyncset.done $0x0  }
0xa4: {  	s25 =	simm.s32 $0x1B8E;
	s24 =	sld [smem:$0x3FFE];
	[sflag:s23] =	ssyncadd.s32 $0xFFFFFFFF  }
0xa5: {  	s26 =	simm.s32 $execute0_lowered;
	[smem:$0x3FD2] =	sst s25  }
0xa6: {  	s5 =	sshll.u32 s26, $0x1;
	_ =	strace $0x80000046;
	[dreg:$0x1] =	wrdreg $0xFFFFFFFF  }
0xa7: {  	s28 =	simm.s32 $_size_execute0_lowered;
	s3 =	sadd.s32 s3, s5;
	[dreg:$0x0] =	wrdreg $0x0  }
0xa8: {  	s5 =	sshll.u32 s28, $0x1;
	[dreg:$0x2] =	wrdreg s3  }
0xa9: {  	[dreg:$0x3] =	wrdreg s5  }
0xaa: {  	[dreg:$0x4] =	wrdreg $0xC0  }
0xab: {  	_ =	task [dreg:s7], $0x5FFFF  }
0xac: {  	[dreg:$0x1] =	wrdreg $0xFFFFFFFF  }
0xad: {  	[dreg:$0x0] =	wrdreg $0x60  }
0xae: {  	[dreg:$0x2] =	wrdreg s24  }
0xaf: {  	[dreg:$0x3] =	wrdreg s2  }
0xb0: {  	[dreg:$0x4] =	wrdreg $0x69800  }
0xb1: {  	[dreg:$0x5] =	wrdreg $0x9  }
0xb2: {  	_ =	task.clear_ibuf [dreg:s7], $0x6FFFF;
	_ =	strace $0x90000046  }
0xb3: {  	s29 =	simm.s32 $0x9;
	_ =	strace $0x80000048  }
0xb4: {  	_ =	swait.ge [sflag:s29], $0x1  }
0xb5: {  	[sflag:s29] =	ssyncadd.s32 $0xFFFFFFFF  }
0xb6: {  	_ =	strace $0x90000048  }
0xb7: {  	_ =	sfence  }
0xb8: {  	s30 =	sld [smem:$0x0];
	_ =	sdelay $0x2  }
0xb9: {  	s31 =	sshll.u32 s1, $0xD;
	s1 =	sshrl.u32 s1, $0x2  }
0xba: {  	s3 =	sand.u32 $0x4000, s31;
	s1 =	sadd.s32 s1, s30  }
0xbb: {  	s0 =	sor.u32 s3, s0;
	s1 =	sshll.u32 s1, $0x11  }
0xbc: {  	s0 =	sor.u32 s1, s0  }
0xbd: {  	s0 =	sadd.s32 $0x8F2B, s0  }
0xbe: {  	[sflag:s0] =	ssyncadd.remote.s32 $0x1  }
0xbf: {  	_ =	sfence.sel $0xFFFF  }
0xc0: {  	[dreg:$0x0] =	wrdreg $0xFFFFFFFF;
	(pc) =	sbr.abs _section_cstart, $3  }
0xc1: {  	[dreg:$0x1] =	wrdreg $0xFFFFFFFF  }
0xc2: {  	_ =	task.clear_ibuf [dreg:s7], $0x2FFFF;
	_ =	strace $0x9FFFFFFF  }
0xc3: {  	(tm) =	ssettm $0x7FFFFFFF  }
tec
execute0_lowered:
.L_overlay_start_1:
0x0: {  	(tag) =	ssettag $0x1  }
0x1: {  	s8 =	rddreg [dreg:$0x0]  }
0x2: {  	s1 =	rddreg [dreg:$0x1]  }
0x3: {  	s2 =	rddreg [dreg:$0x2];
	s3 =	srdreg.scid  }
0x4: {  	s0 =	rddreg [dreg:$0x3];
	s4 =	simm.s32 $0x0;
	s17 =	simm.s32 $0x2  }
0x5: {  	s18 =	simm.s32 $0x100;
	s19 =	simm.s32 $0x80;
	s20 =	simm.s32 $0x1  }
0x6: {  	s21 =	simm.s32 $0x4200;
	s22 =	simm.s32 $0x180;
	s7 =	sand.u32 $0x1, s3  }
0x7: {  	s23 =	simm.s32 $0x0;
	s3 =	stileid.u32;
	s6 =	smul.u32 $0x140000, s7  }
0x8: {  	[smem:$0x7FF] =	sst s4;
	s5 =	sadd.s32 $0x3600, s8;
	s9 =	smul.u32 $0x14000, s3  }
0x9: {  	_ =	strace $0x80000047;
	s10 =	sshll.u32 s7, $0x4;
	s13 =	ssub.s32 $0x2, s7  }
0xa: {  	s11 =	smul.u32 $0x50000, s3;
	s12 =	sor.u32 s3, s10;
	s31 =	sshrl.u32 s13, $0x1  }
0xb: {  	s9 =	sadd.s32 s9, s6;
	s6 =	sadd.s32 $0x17600, s8;
	s10 =	smul.u32 $0x4E2, s12  }
0xc: {  	s30 =	sshrl.u32 s11, $0x2;
	s16 =	ssub.s32 s13, s31;
	s9 =	sshrl.u32 s9, $0x3  }
0xd: {  	s12 =	smul.u32 $0x50, s12;
	s7 =	sadd.s32 s30, s2;
	s14 =	sadd.s32 s9, s8  }
0xe: {  	s15 =	sadd.s32 s10, s8;
	s8 =	sadd.s32 $0x4000, s7;
	s9 =	sadd.s32 $0x8000, s7  }
0xf: {  	s10 =	sadd.s32 $0xC000, s7;
	s11 =	sadd.s32 $0x10000, s7;
	s13 =	sadd.s32 $0x2B400, s14  }
0x10: {  	v0 =	vimm.f32 $0.0e+00;
	s14 =	sadd.s32 $0x21600, s15;
	s15 =	smax.u32 s16, $0x1;
	s16 =	simm.s32 $0x200  }
.LBB2_1:
0x11: {  	s24 =	simm.s32 $0x0  }
.LBB2_2:
0x12: {  	p0 =	sne.s32 s24, $0x9C00  }
.Ltmp0:
0x13: {  	_ = 	snop;
	(pc) =	sbr.rel @p0 .LBB2_2-.Ltmp0, $3  }
0x14: {  	_ =	sdelay $0x1  }
0x15: {  	s25 =	sshra.s32 s24, $0x2  }
0x16: {  	s24 =	sadd.s32 $0x40, s24;
	[tilespmem:s25+$0x4200] =	vst v0  }
0x17: {  	s24 =	simm.s32 $0x0;
	s25 =	simm.s32 $0x200  }
.LBB2_4:
0x18: {  	p0 =	sne.s32 s25, $0xFE00;
	[tilespmem:s24+$0x270] =	vst v0  }
0x19: {  	[tilespmem:s24+$0x200] =	vst v0  }
0x1a: {  	[tilespmem:s24+$0x210] =	vst v0  }
.Ltmp1:
0x1b: {  	[tilespmem:s24+$0x220] =	vst v0;
	(pc) =	sbr.rel @p0 .LBB2_4-.Ltmp1, $4  }
0x1c: {  	[tilespmem:s24+$0x230] =	vst v0  }
0x1d: {  	[tilespmem:s24+$0x240] =	vst v0  }
0x1e: {  	[tilespmem:s24+$0x250] =	vst v0  }
0x1f: {  	[tilespmem:s24+$0x260] =	vst v0;
	s24 =	sshra.s32 s25, $0x2;
	s25 =	sadd.s32 $0x200, s25  }
0x20: {  	[tilespmem:s24+$0x270] =	vst v0  }
0x21: {  	[tilespmem:s24+$0x200] =	vst v0  }
0x22: {  	[tilespmem:s24+$0x210] =	vst v0  }
0x23: {  	[tilespmem:s24+$0x220] =	vst v0  }
0x24: {  	[tilespmem:s24+$0x230] =	vst v0  }
0x25: {  	[tilespmem:s24+$0x240] =	vst v0  }
0x26: {  	[tilespmem:s24+$0x250] =	vst v0  }
0x27: {  	[tilespmem:s24+$0x260] =	vst v0  }
0x28: {  	[spmem:s7] =	stream.linear.scatter [tilespmem:s16], [sflag:$0x2], $0x4000, $0x38;
	[tilespmem:$0x1A980] =	vst v63  }
0x29: {  	_ =	swait.ge [sflag:s17], $0x4000  }
0x2a: {  	[sflag:s17] =	ssyncset.done $0x0  }
0x2b: {  	[sflag:s17] =	ssyncadd.s32 $0xFFFFC000  }
0x2c: {  	[spmem:s8] =	stream.linear.scatter [tilespmem:s16], [sflag:$0x2], $0x4000, $0x38;
	[tilespmem:$0x1A980] =	vst v63  }
0x2d: {  	_ =	swait.ge [sflag:s17], $0x4000  }
0x2e: {  	[sflag:s17] =	ssyncset.done $0x0  }
0x2f: {  	[sflag:s17] =	ssyncadd.s32 $0xFFFFC000  }
0x30: {  	[spmem:s9] =	stream.linear.scatter [tilespmem:s16], [sflag:$0x2], $0x4000, $0x38;
	[tilespmem:$0x1A980] =	vst v63  }
0x31: {  	_ =	swait.ge [sflag:s17], $0x4000  }
0x32: {  	[sflag:s17] =	ssyncset.done $0x0  }
0x33: {  	[sflag:s17] =	ssyncadd.s32 $0xFFFFC000  }
0x34: {  	[spmem:s10] =	stream.linear.scatter [tilespmem:s16], [sflag:$0x2], $0x4000, $0x38;
	[tilespmem:$0x1A980] =	vst v63  }
0x35: {  	_ =	swait.ge [sflag:s17], $0x4000  }
0x36: {  	[sflag:s17] =	ssyncset.done $0x0  }
0x37: {  	[sflag:s17] =	ssyncadd.s32 $0xFFFFC000  }
0x38: {  	[spmem:s11] =	stream.linear.scatter [tilespmem:s16], [sflag:$0x2], $0x4000, $0x38;
	[tilespmem:$0x1A980] =	vst v63  }
0x39: {  	_ =	swait.ge [sflag:s17], $0x4000  }
0x3a: {  	[sflag:s17] =	ssyncset.done $0x0  }
0x3b: {  	[sflag:s17] =	ssyncadd.s32 $0xFFFFC000  }
0x3c: {  	s24 =	simm.s32 $0x0;
	s25 =	simm.s32 $0x0;
	[bflag:$0x0] =	sbarrier.arrive $0xFFFF  }
.LBB2_6:
0x3d: {  	s26 =	sadd.s32 s12, s25  }
0x3e: {  	s28 =	sshll.u32 s26, $0x5  }
0x3f: {  	s28 =	sadd.s32 s5, s28  }
0x40: {  	[tilespmem:s24], [sflag:$0x2] =	stream.linear.gather [hbm4b:s28+s24], $0x100, $0x38;
	[tilespmem:$0x1A980] =	vst v63  }
0x41: {  	_ =	swait.ge [sflag:s17], $0x100  }
0x42: {  	s26 =	sshll.u32 s26, $0x4;
	[sflag:s17] =	ssyncset.done $0x0  }
0x43: {  	s26 =	sadd.s32 s6, s26;
	[sflag:s17] =	ssyncadd.s32 $0xFFFFFF00  }
0x44: {  	[tilespmem:s18], [sflag:$0x2] =	stream.linear.gather [hbm4b:s26+s24], $0x80, $0x38;
	[tilespmem:$0x1A980] =	vst v63  }
0x45: {  	_ =	swait.ge [sflag:s17], $0x80  }
0x46: {  	[sflag:s17] =	ssyncset.done $0x0  }
0x47: {  	[sflag:s17] =	ssyncadd.s32 $0xFFFFFF80  }
0x48: {  	[tilespmem:s16], [sflag:$0x1] =	stream.indirect.gather [hbm4b:s1+s19], $0x80, s19, s19, $0xb8;
	[tilespmem:$0x1A980] =	vst v63  }
0x49: {  	_ =	swait.ge [sflag:s20], $0x4000  }
0x4a: {  	[sflag:s20] =	ssyncset.done $0x0  }
0x4b: {  	[sflag:s20] =	ssyncadd.s32 $0xFFFFC000  }
0x4c: {  	v1 =	vld [tilespmem:$0x0];
	_ =	sdelay $0x2  }
0x4d: {  	v2 =	vld [tilespmem:$0x100];
	_ =	sdelay $0x3  }
0x4e: {  	[tilespmem:$0x180] =	vst v1  }
0x4f: {  	[tilespmem:v1+s21+$0x0] =	vst.idx.add.f32.msk $0xffff, v2  }
0x50: {  	v1 =	vld [tilespmem:$0x10];
	_ =	sdelay $0x2  }
0x51: {  	v2 =	vld [tilespmem:$0x110];
	_ =	sdelay $0x3  }
0x52: {  	[tilespmem:$0x190] =	vst v1  }
0x53: {  	[tilespmem:v1+s21+$0x0] =	vst.idx.add.f32.msk $0xffff, v2  }
0x54: {  	v1 =	vld [tilespmem:$0x20];
	_ =	sdelay $0x2  }
0x55: {  	v2 =	vld [tilespmem:$0x120];
	_ =	sdelay $0x3  }
0x56: {  	[tilespmem:$0x1A0] =	vst v1  }
0x57: {  	[tilespmem:v1+s21+$0x0] =	vst.idx.add.f32.msk $0xffff, v2  }
0x58: {  	v1 =	vld [tilespmem:$0x30];
	_ =	sdelay $0x2  }
0x59: {  	v2 =	vld [tilespmem:$0x130];
	_ =	sdelay $0x3  }
0x5a: {  	[tilespmem:$0x1B0] =	vst v1  }
0x5b: {  	[tilespmem:v1+s21+$0x0] =	vst.idx.add.f32.msk $0xffff, v2  }
0x5c: {  	v1 =	vld [tilespmem:$0x40];
	_ =	sdelay $0x2  }
0x5d: {  	v2 =	vld [tilespmem:$0x140];
	_ =	sdelay $0x3  }
0x5e: {  	[tilespmem:$0x1C0] =	vst v1  }
0x5f: {  	[tilespmem:v1+s21+$0x0] =	vst.idx.add.f32.msk $0xffff, v2  }
0x60: {  	v1 =	vld [tilespmem:$0x50];
	_ =	sdelay $0x2  }
0x61: {  	v2 =	vld [tilespmem:$0x150];
	_ =	sdelay $0x3  }
0x62: {  	[tilespmem:$0x1D0] =	vst v1  }
0x63: {  	[tilespmem:v1+s21+$0x0] =	vst.idx.add.f32.msk $0xffff, v2  }
0x64: {  	v1 =	vld [tilespmem:$0x60];
	_ =	sdelay $0x2  }
0x65: {  	v2 =	vld [tilespmem:$0x160];
	_ =	sdelay $0x3  }
0x66: {  	[tilespmem:$0x1E0] =	vst v1  }
0x67: {  	[tilespmem:v1+s21+$0x0] =	vst.idx.add.f32.msk $0xffff, v2  }
0x68: {  	v1 =	vld [tilespmem:$0x70];
	_ =	sdelay $0x2  }
0x69: {  	v2 =	vld [tilespmem:$0x170];
	_ =	sdelay $0x3  }
0x6a: {  	v3 =	vmov s24;
	[tilespmem:$0x1F0] =	vst v1  }
0x6b: {  	s26 =	simm.s32 $0x240;
	[tilespmem:v1+s21+$0x0] =	vst.idx.add.f32.msk $0xffff, v2  }
0x6c: {  	v5 =	vld [tilespmem:s26+$0x30]  }
0x6d: {  	v8 =	vld [tilespmem:s26+$0x10]  }
0x6e: {  	v6 =	vld [tilespmem:s26+$0xFFFFFFC0]  }
0x6f: {  	v2 =	vld.idx.msk [tilespmem:v3+s18+$0x0], $0xffff  }
0x70: {  	v10 =	vld [tilespmem:s26+$0xFFFFFFE0]  }
0x71: {  	v1 =	vld [tilespmem:s26+$0xFFFFFFF0]  }
0x72: {  	v3 =	vld [tilespmem:s26+$0x20]  }
0x73: {  	v4 =	vld [tilespmem:s26+$0xFFFFFFD0]  }
0x74: {  	v9 =	vmul.f32 v5, v2;
	v5 =	vld [tilespmem:s26+$0x0]  }
0x75: {  	v7 =	vmul.f32 v6, v2  }
0x76: {  	s29 =	simm.s32 $0x240;
	s28 =	simm.s32 $0x1;
	v6 =	vmul.f32 v10, v2;
	v8 =	vmul.f32 v8, v2  }
.LBB2_7:
0x77: {  	p0 =	sne.s32 s28, $0x7F  }
0x78: {  	v4 =	vmul.f32 v4, v2;
	v3 =	vmul.f32 v3, v2;
	[tilespmem:s26+$0x30] =	vst v9;
	s29 =	sadd.s32 $0x80, s29;
	s30 =	smov.u32 s28;
	s28 =	sadd.s32 $0x1, s28  }
0x79: {  	[tilespmem:s26+$0xFFFFFFC0] =	vst v7;
	v7 =	vmul.f32 v1, v2;
	v2 =	vmul.f32 v5, v2  }
0x7a: {  	[tilespmem:s26+$0x10] =	vst v8  }
0x7b: {  	v5 =	vmov s30;
	[tilespmem:s26+$0xFFFFFFE0] =	vst v6  }
0x7c: {  	v1 =	vld [tilespmem:s29+$0xFFFFFFF0];
	[tilespmem:s26+$0xFFFFFFF0] =	vst v7  }
0x7d: {  	v6 =	vld [tilespmem:s29+$0x30];
	[tilespmem:s26+$0x0] =	vst v2  }
0x7e: {  	v8 =	vld [tilespmem:s29+$0x10];
	[tilespmem:s26+$0x20] =	vst v3  }
0x7f: {  	v7 =	vld [tilespmem:s29+$0xFFFFFFC0];
	[tilespmem:s26+$0xFFFFFFD0] =	vst v4;
	s26 =	smov.u32 s29  }
0x80: {  	v2 =	vld.idx.msk [tilespmem:v5+s18+$0x0], $0xffff  }
0x81: {  	v10 =	vld [tilespmem:s29+$0xFFFFFFE0]  }
0x82: {  	v3 =	vld [tilespmem:s29+$0x20]  }
.Ltmp2:
0x83: {  	v4 =	vld [tilespmem:s29+$0xFFFFFFD0];
	(pc) =	sbr.rel @p0 .LBB2_7-.Ltmp2, $3  }
0x84: {  	v5 =	vld [tilespmem:s29+$0x0];
	_ =	sdelay $0x1  }
0x85: {  	v7 =	vmul.f32 v7, v2;
	v9 =	vmul.f32 v6, v2  }
0x86: {  	v8 =	vmul.f32 v8, v2;
	v6 =	vmul.f32 v10, v2  }
0x87: {  	[tilespmem:s26+$0x30] =	vst v9  }
0x88: {  	[tilespmem:s26+$0xFFFFFFC0] =	vst v7  }
0x89: {  	v1 =	vmul.f32 v1, v2;
	[tilespmem:s26+$0x10] =	vst v8  }
0x8a: {  	v3 =	vmul.f32 v3, v2;
	[tilespmem:s26+$0xFFFFFFE0] =	vst v6  }
0x8b: {  	v5 =	vmul.f32 v5, v2;
	[tilespmem:s26+$0xFFFFFFF0] =	vst v1  }
0x8c: {  	s25 =	sadd.s32 $0x1, s25;
	v1 =	vmul.f32 v4, v2;
	[tilespmem:s26+$0x20] =	vst v3  }
0x8d: {  	p0 =	sne.s32 s25, $0x50;
	[tilespmem:s26+$0x0] =	vst v5  }
.Ltmp3:
0x8e: {  	[tilespmem:s26+$0xFFFFFFD0] =	vst v1;
	(pc) =	sbr.rel @p0 .LBB2_6-.Ltmp3, $4  }
0x8f: {  	[spmem:s2] =	stream.indirect.scatter.add.f32 [tilespmem:s16], [sflag:$0x2], $0x80, s22, s19, $0xb8;
	[tilespmem:$0x1A980] =	vst v63  }
0x90: {  	_ =	swait.ge [sflag:s17], $0x4000  }
0x91: {  	[sflag:s17] =	ssyncset.done $0x0  }
0x92: {  	[sflag:s17] =	ssyncadd.s32 $0xFFFFC000  }
0x93: {  	s24 =	sshll.u32 s3, $0x6  }
0x94: {  	[bflag:$0x0] =	sbarrier.arrive $0xFFFF;
	s25 =	sshrl.u32 s7, $0x3;
	s24 =	sor.u32 $0x1C02, s24  }
0x95: {  	[hbm:s13], [sflag:s24] =	dma.local [spmem:s25], $0x2800  }
0x96: {  	s23 =	sadd.s32 $0x1, s23;
	_ =	swait.ge [sflag:s17], $0x2800  }
0x97: {  	p0 =	sne.s32 s23, s15;
	[sflag:s17] =	ssyncset.done $0x0  }
.Ltmp4:
0x98: {  	[sflag:s17] =	ssyncadd.s32 $0xFFFFD800;
	(pc) =	sbr.rel @p0 .LBB2_1-.Ltmp4, $4  }
0x99: {  	[hbm4b:s14+s4] =	stream.linear.scatter [tilespmem:s21], [sflag:$0x2], $0x2710, $0x38;
	[tilespmem:$0x1A980] =	vst v63  }
0x9a: {  	_ =	swait.ge [sflag:s17], $0x2710  }
0x9b: {  	[sflag:s17] =	ssyncset.done $0x0  }
0x9c: {  	[sflag:s17] =	ssyncadd.s32 $0xFFFFD8F0  }
0x9d: {  	_ =	sfence.sel $0x180000  }
0x9e: {  	[bflag:$0x0] =	sbarrier.arrive $0xFFFF  }
0x9f: {  	p0 =	sne.s32 s3, $0x0;
	_ =	strace $0x90000047  }
0xa0: {  	s0 =	sadd.s32 @!p0 $0x100000, s0;
	[bflag:$0x2] =	sbarrier.arrive $0xFFFF  }
0xa1: {  	[sflag:s0] =	ssyncadd.tile.s32 @!p0 $0x1;
	_ =	shalt  }
.Lfunc_end2:
_tile_overlayer_lowered:
.L_overlay_start_2:
0xa2: {  	(tag) =	ssettag $0x2  }
0xa3: {  	s0 =	rddreg [dreg:$0x0];
	s2 =	stileid.u32  }
0xa4: {  	s1 =	rddreg [dreg:$0x1];
	p0 =	sne.s32 s2, $0x0  }
0xa5: {  	s3 =	rddreg [dreg:$0x2];
	[bflag:$0x3] =	sbarrier.arrive $0xFFFF;
	s2 =	simm.s32 @!p0 $0x1C02  }
0xa6: {  	[timem:s3], [sflag:s2] =	dma.local @!p0 [hbm:s0], s1  }
0xa7: {  	s0 =	simm.s32 @!p0 $0x2  }
0xa8: {  	_ =	swait.ge @!p0 [sflag:s0], s1  }
0xa9: {  	s1 =	ssub.s32 @!p0 $0x0, s1;
	[sflag:s0] =	ssyncset.done @!p0 $0x0  }
0xaa: {  	[sflag:s0] =	ssyncadd.s32 @!p0 s1  }
0xab: {  	[bflag:$0x3] =	sbarrier.arrive $0xFFFF  }
0xac: {  	_ =	shalt  }

</sc_bundles>
